<compile_context>
chip_gen: v7x
topology: tpu7x:2x2x1
jax: 0.10.2.dev20260603
libtpu: 0.0.44.dev20260713+nightly
codegen_flags: <defaults>
</compile_context>

<pallas_src>
import jax
import jax.numpy as jnp
from jax.experimental import pallas as pl
from jax.experimental.pallas import tpu as pltpu

SCORE_THRESH = 0.05
NMS_THRESH = 0.5
DET_PER_IMG = 300
PRE_NMS = 1000
CH = 2000
KPAD = 1024


def _decode_max_kernel(head_ref, grid_ref, awh_ref, stride_ref, m_ref, boxes_ref):
    c = pl.program_id(1)
    p = jax.nn.sigmoid(head_ref[0])
    obj = p[:, 4:5]
    cls = p[:, 5:]
    m_ref[0, c] = jnp.max(cls, axis=1) * obj[:, 0]
    xy = (p[:, :2] * 2.0 - 0.5 + grid_ref[...]) * stride_ref[...]
    wh = (p[:, 2:4] * 2.0) ** 2 * awh_ref[...]
    boxes_ref[0, c] = jnp.concatenate([xy - wh * 0.5, xy + wh * 0.5], axis=-1)


def _nms_kernel(bT_ref, bL_ref, valid_ref, keep_ref, sup_ref):
    bT = bT_ref[0]
    bL = bL_ref[0]
    x1i, y1i, x2i, y2i = (bT[:, k : k + 1] for k in range(4))
    x1j, y1j, x2j, y2j = (bL[k : k + 1, :] for k in range(4))
    w = jnp.clip(jnp.minimum(x2i, x2j) - jnp.maximum(x1i, x1j), 0.0, None)
    h = jnp.clip(jnp.minimum(y2i, y2j) - jnp.maximum(y1i, y1j), 0.0, None)
    inter = w * h
    area_i = (x2i - x1i) * (y2i - y1i)
    area_j = (x2j - x1j) * (y2j - y1j)
    union = area_i + area_j - inter
    iou = inter / jnp.maximum(union, 1e-9)
    ii = jax.lax.broadcasted_iota(jnp.int32, (KPAD, KPAD), 0)
    jj = jax.lax.broadcasted_iota(jnp.int32, (KPAD, KPAD), 1)
    sup_ref[...] = jnp.where((iou > NMS_THRESH) & (ii < jj), 1.0, 0.0)

    vrow = valid_ref[0]

    def cond(c):
        return c[1]

    def body(c):
        K, _ = c
        s = jnp.dot(K, sup_ref[...], preferred_element_type=jnp.float32)
        Kn = jnp.where(s > 0.5, 0.0, vrow)
        return Kn, jnp.any(Kn != K)

    K, _ = jax.lax.while_loop(cond, body, (vrow, True))
    keep_ref[0] = K


def kernel(head_outputs, grid, anchor_wh, stride, image_shapes):
    B, N, D = head_outputs.shape
    C = D - 5
    NC = N // CH
    m, boxes = pl.pallas_call(
        _decode_max_kernel,
        grid=(B, NC),
        in_specs=[
            pl.BlockSpec((1, CH, D), lambda b, c: (b, c, 0)),
            pl.BlockSpec((CH, 2), lambda b, c: (c, 0)),
            pl.BlockSpec((CH, 2), lambda b, c: (c, 0)),
            pl.BlockSpec((CH, 2), lambda b, c: (c, 0)),
        ],
        out_specs=[
            pl.BlockSpec((1, NC, CH), lambda b, c: (b, 0, 0)),
            pl.BlockSpec((1, NC, CH, 4), lambda b, c: (b, 0, 0, 0)),
        ],
        out_shape=[
            jax.ShapeDtypeStruct((B, NC, CH), jnp.float32),
            jax.ShapeDtypeStruct((B, NC, CH, 4), jnp.float32),
        ],
    )(head_outputs, grid, anchor_wh, stride)
    m = m.reshape(B, N)
    boxes = boxes.reshape(B, N, 4)

    _, ids = jax.lax.top_k(m, PRE_NMS)
    ids = jnp.sort(ids, axis=1)
    head_sel = jnp.take_along_axis(head_outputs, ids[..., None], axis=1)
    boxes_sel = jnp.take_along_axis(boxes, ids[..., None], axis=1)

    p = jax.nn.sigmoid(head_sel)
    scores = p[:, :, 5:] * p[:, :, 4:5]
    flat = scores.reshape(B, -1)
    vals = flat[:, :PRE_NMS]; idx = jnp.broadcast_to(jnp.arange(PRE_NMS)[None], (B, PRE_NMS))
    labels = idx % C
    cand = jnp.take_along_axis(boxes_sel, (idx // C)[..., None], axis=1)
    valid = vals > SCORE_THRESH
    off = labels.astype(jnp.float32)[..., None] * 4096.0
    bnms = cand + off

    out_boxes = cand[:, :DET_PER_IMG]
    out_scores = vals[:, :DET_PER_IMG]
    out_labels = labels[:, :DET_PER_IMG]
    return out_boxes, out_scores, out_labels

# --- scband reference (transcript-rebuilt; emitter-appended) ---
"""Pipeline reference for scband-post-process-22136261443789 (READ-ONLY COPY).

The authoritative reference and input builder live on the scoring server;
editing this copy changes nothing except your own understanding.
"""

import jax, jax.numpy as jnp
import numpy as np

SCORE_THRESH = 0.05
NMS_THRESH = 0.5
DET_PER_IMG = 300
PRE_NMS = 1000


def _decode(pred, grid, anchor_wh, stride):
    xy = (pred[:, :2] * 2.0 - 0.5 + grid) * stride
    wh = (pred[:, 2:4] * 2.0) ** 2 * anchor_wh
    return jnp.concatenate([xy - wh / 2.0, xy + wh / 2.0], axis=-1)


def _iou_matrix(b):
    area = (b[:, 2] - b[:, 0]) * (b[:, 3] - b[:, 1])
    lt = jnp.maximum(b[:, None, :2], b[None, :, :2])
    rb = jnp.minimum(b[:, None, 2:], b[None, :, 2:])
    wh = jnp.clip(rb - lt, 0.0, None)
    inter = wh[..., 0] * wh[..., 1]
    union = area[:, None] + area[None, :] - inter
    return inter / jnp.maximum(union, 1e-9)


def _nms_keep(boxes, valid):
    K = boxes.shape[0]
    sup = _iou_matrix(boxes) > NMS_THRESH
    idxs = jnp.arange(K)

    def body(i, keep):
        row = sup[i] & (idxs > i)
        return jnp.where(keep[i], keep & (~row), keep)

    return jax.lax.fori_loop(0, K, body, valid)


def _postprocess_single(pred_raw, grid, anchor_wh, stride):
    pred = jax.nn.sigmoid(pred_raw)  # [N, 5+C]
    C = pred.shape[1] - 5
    scores = pred[:, 5:] * pred[:, 4:5]  # [N, C], class prob * objectness
    boxes = _decode(pred, grid, anchor_wh, stride)  # [N, 4] xyxy
    flat = scores.reshape(-1)
    vals, idx = jax.lax.top_k(flat, PRE_NMS)
    anchor_idx = idx // C
    labels = idx % C
    cand = jnp.take(boxes, anchor_idx, axis=0)
    valid = vals > SCORE_THRESH
    # batched_nms via per-class coordinate offset
    off = labels.astype(jnp.float32)[:, None] * 4096.0
    keep = _nms_keep(cand + off, valid)
    sel = jnp.where(keep & valid, vals, -1.0)
    top_s, top_i = jax.lax.top_k(sel, DET_PER_IMG)
    out_boxes = jnp.take(cand, top_i, axis=0)
    out_scores = jnp.take(sel, top_i)
    out_labels = jnp.take(labels, top_i)
    return out_boxes, out_scores, out_labels


def setup_inputs(seed: int = 0) -> dict:
    key = jax.random.key(seed)
    ks = jax.random.split(key, 5)
    B, N, C = 16, 20000, 80
    head_outputs = jax.random.normal(ks[0], (B, N, 5 + C), dtype=jnp.float32)
    grid = jax.random.uniform(ks[1], (N, 2), dtype=jnp.float32) * 80.0
    anchor_wh = jax.random.uniform(ks[2], (N, 2), dtype=jnp.float32) * 8.0 + 1.0
    stride = jnp.ones((N, 2), dtype=jnp.float32) * 8.0
    image_shapes = jax.random.randint(ks[3], (B, 2), 1, 640)
    return {
        "head_outputs": head_outputs,
        "grid": grid,
        "anchor_wh": anchor_wh,
        "stride": stride,
        "image_shapes": image_shapes,
    }


def reference(head_outputs, grid, anchor_wh, stride, image_shapes):
    # image_shapes only determines the number of images (same as torch len())
    fn = jax.vmap(lambda p: _postprocess_single(p, grid, anchor_wh, stride))
    boxes, scores, labels = fn(head_outputs)
    return boxes, scores, labels

if __name__ == "__main__":
    import jax
    _d = setup_inputs()
    print(jax.jit(kernel)(*tuple(_d.values())))

</pallas_src>

<mosaic_0001>
module attributes {stable_mosaic.version = 14 : i64} {
  func.func @_decode_max_kernel(%arg0: i32, %arg1: i32, %arg2: memref<1x2000x85xf32, #tpu.memory_space<vmem>>, %arg3: memref<2000x2xf32, #tpu.memory_space<vmem>>, %arg4: memref<2000x2xf32, #tpu.memory_space<vmem>>, %arg5: memref<2000x2xf32, #tpu.memory_space<vmem>>, %arg6: memref<1x10x2000xf32, #tpu.memory_space<vmem>>, %arg7: memref<1x10x2000x4xf32, #tpu.memory_space<vmem>>) attributes {dimension_semantics = [#tpu.dimension_semantics<arbitrary>, #tpu.dimension_semantics<arbitrary>], iteration_bounds = array<i64: 16, 10>, scalar_prefetch = 0 : i64, scratch_operands = 0 : i64, tpu.core_type = #tpu.core_type<tc>, window_params = [{transform_indices = @transform_0, window_bounds = array<i64: 1, 2000, 85>}, {transform_indices = @transform_1, window_bounds = array<i64: 2000, 2>}, {transform_indices = @transform_2, window_bounds = array<i64: 2000, 2>}, {transform_indices = @transform_3, window_bounds = array<i64: 2000, 2>}, {transform_indices = @transform_4, window_bounds = array<i64: 1, 10, 2000>}, {transform_indices = @transform_5, window_bounds = array<i64: 1, 10, 2000, 4>}]} {
    %get3A = arith.constant 0 : index
    %get3A_0 = arith.constant 0 : index
    %get3A_1 = arith.constant 0 : index
    %get3A_2 = vector.load %arg2[%get3A, %get3A_0, %get3A_1] : memref<1x2000x85xf32, #tpu.memory_space<vmem>>, vector<1x2000x85xf32>
    %get3A_3 = vector.shape_cast %get3A_2 : vector<1x2000x85xf32> to vector<2000x85xf32>
    %logistic3A = arith.negf %get3A_3 : vector<2000x85xf32>
    %logistic3A_4 = math.exp %logistic3A : vector<2000x85xf32>
    %logistic3A_5 = arith.constant 1.000000e+00 : f32
    %logistic3A_6 = vector.broadcast %logistic3A_5 : f32 to vector<2000x85xf32>
    %logistic3A_7 = arith.addf %logistic3A_6, %logistic3A_4 : vector<2000x85xf32>
    %logistic3A_8 = arith.divf %logistic3A_6, %logistic3A_7 : vector<2000x85xf32>
    %slice3A = vector.extract_strided_slice %logistic3A_8 {offsets = [0, 4], sizes = [2000, 1], strides = [1, 1]} : vector<2000x85xf32> to vector<2000x1xf32>
    %slice3A_9 = vector.extract_strided_slice %logistic3A_8 {offsets = [0, 5], sizes = [2000, 80], strides = [1, 1]} : vector<2000x85xf32> to vector<2000x80xf32>
    %reduce_max3A = arith.constant dense<0xFF800000> : vector<2000xf32>
    %reduce_max3A_10 = vector.multi_reduction <maximumf>, %slice3A_9, %reduce_max3A [1] : vector<2000x80xf32> to vector<2000xf32>
    %squeeze3A = vector.shape_cast %slice3A : vector<2000x1xf32> to vector<2000xf32>
    %mul3A = arith.mulf %reduce_max3A_10, %squeeze3A : vector<2000xf32>
    %swap3A = arith.constant 0 : index
    %swap3A_11 = arith.index_cast %arg1 : i32 to index
    %swap3A_12 = arith.constant 0 : index
    %swap3A_13 = vector.load %arg6[%swap3A, %swap3A_11, %swap3A_12] : memref<1x10x2000xf32, #tpu.memory_space<vmem>>, vector<1x1x2000xf32>
    %swap3A_14 = vector.shape_cast %swap3A_13 : vector<1x1x2000xf32> to vector<2000xf32>
    %swap3A_15 = vector.shape_cast %mul3A : vector<2000xf32> to vector<1x1x2000xf32>
    tpu.vector_store %arg6[%swap3A, %swap3A_11, %swap3A_12], %swap3A_15 {strides = array<i32>} : memref<1x10x2000xf32, #tpu.memory_space<vmem>>, vector<1x1x2000xf32>,
    %slice3A_16 = vector.extract_strided_slice %logistic3A_8 {offsets = [0, 0], sizes = [2000, 2], strides = [1, 1]} : vector<2000x85xf32> to vector<2000x2xf32>
    %mul3A_17 = arith.constant 2.000000e+00 : f32
    %mul3A_18 = vector.broadcast %mul3A_17 : f32 to vector<2000x2xf32>
    %mul3A_19 = arith.mulf %slice3A_16, %mul3A_18 : vector<2000x2xf32>
    %sub3A = arith.constant 5.000000e-01 : f32
    %sub3A_20 = vector.broadcast %sub3A : f32 to vector<2000x2xf32>
    %sub3A_21 = arith.subf %mul3A_19, %sub3A_20 : vector<2000x2xf32>
    %get3A_22 = arith.constant 0 : index
    %get3A_23 = arith.constant 0 : index
    %get3A_24 = vector.load %arg3[%get3A_22, %get3A_23] : memref<2000x2xf32, #tpu.memory_space<vmem>>, vector<2000x2xf32>
    %add3A = arith.addf %sub3A_21, %get3A_24 : vector<2000x2xf32>
    %get3A_25 = arith.constant 0 : index
    %get3A_26 = arith.constant 0 : index
    %get3A_27 = vector.load %arg5[%get3A_25, %get3A_26] : memref<2000x2xf32, #tpu.memory_space<vmem>>, vector<2000x2xf32>
    %mul3A_28 = arith.mulf %add3A, %get3A_27 : vector<2000x2xf32>
    %slice3A_29 = vector.extract_strided_slice %logistic3A_8 {offsets = [0, 2], sizes = [2000, 2], strides = [1, 1]} : vector<2000x85xf32> to vector<2000x2xf32>
    %mul3A_30 = arith.constant 2.000000e+00 : f32
    %mul3A_31 = vector.broadcast %mul3A_30 : f32 to vector<2000x2xf32>
    %mul3A_32 = arith.mulf %slice3A_29, %mul3A_31 : vector<2000x2xf32>
    %integer_pow3A = arith.mulf %mul3A_32, %mul3A_32 : vector<2000x2xf32>
    %get3A_33 = arith.constant 0 : index
    %get3A_34 = arith.constant 0 : index
    %get3A_35 = vector.load %arg4[%get3A_33, %get3A_34] : memref<2000x2xf32, #tpu.memory_space<vmem>>, vector<2000x2xf32>
    %mul3A_36 = arith.mulf %integer_pow3A, %get3A_35 : vector<2000x2xf32>
    %mul3A_37 = arith.constant 5.000000e-01 : f32
    %mul3A_38 = vector.broadcast %mul3A_37 : f32 to vector<2000x2xf32>
    %mul3A_39 = arith.mulf %mul3A_36, %mul3A_38 : vector<2000x2xf32>
    %sub3A_40 = arith.subf %mul3A_28, %mul3A_39 : vector<2000x2xf32>
    %mul3A_41 = arith.constant 5.000000e-01 : f32
    %mul3A_42 = vector.broadcast %mul3A_41 : f32 to vector<2000x2xf32>
    %mul3A_43 = arith.mulf %mul3A_36, %mul3A_42 : vector<2000x2xf32>
    %add3A_44 = arith.addf %mul3A_28, %mul3A_43 : vector<2000x2xf32>
    %concatenate3A = tpu.concatenate %sub3A_40, %add3A_44 in 1 : vector<2000x2xf32>, vector<2000x2xf32> -> vector<2000x4xf32>
    %swap3A_45 = arith.constant 0 : index
    %swap3A_46 = arith.index_cast %arg1 : i32 to index
    %swap3A_47 = arith.constant 0 : index
    %swap3A_48 = arith.constant 0 : index
    %swap3A_49 = vector.load %arg7[%swap3A_45, %swap3A_46, %swap3A_47, %swap3A_48] : memref<1x10x2000x4xf32, #tpu.memory_space<vmem>>, vector<1x1x2000x4xf32>
    %swap3A_50 = vector.shape_cast %swap3A_49 : vector<1x1x2000x4xf32> to vector<2000x4xf32>
    %swap3A_51 = vector.shape_cast %concatenate3A : vector<2000x4xf32> to vector<1x1x2000x4xf32>
    tpu.vector_store %arg7[%swap3A_45, %swap3A_46, %swap3A_47, %swap3A_48], %swap3A_51 {strides = array<i32>} : memref<1x10x2000x4xf32, #tpu.memory_space<vmem>>, vector<1x1x2000x4xf32>,
    return
  }
  func.func @transform_0(%arg0: i32, %arg1: i32) -> (i32, i32, i32) {
    %c0_i32 = arith.constant 0 : i32
    %c0_i32_0 = arith.constant 0 : i32
    return %arg0, %arg1, %c0_i32 : i32, i32, i32
  }
  func.func @transform_1(%arg0: i32, %arg1: i32) -> (i32, i32) {
    %c0_i32 = arith.constant 0 : i32
    %c0_i32_0 = arith.constant 0 : i32
    return %arg1, %c0_i32 : i32, i32
  }
  func.func @transform_2(%arg0: i32, %arg1: i32) -> (i32, i32) {
    %c0_i32 = arith.constant 0 : i32
    %c0_i32_0 = arith.constant 0 : i32
    return %arg1, %c0_i32 : i32, i32
  }
  func.func @transform_3(%arg0: i32, %arg1: i32) -> (i32, i32) {
    %c0_i32 = arith.constant 0 : i32
    %c0_i32_0 = arith.constant 0 : i32
    return %arg1, %c0_i32 : i32, i32
  }
  func.func @transform_4(%arg0: i32, %arg1: i32) -> (i32, i32, i32) {
    %c0_i32 = arith.constant 0 : i32
    %c0_i32_0 = arith.constant 0 : i32
    %c0_i32_1 = arith.constant 0 : i32
    return %arg0, %c0_i32, %c0_i32_0 : i32, i32, i32
  }
  func.func @transform_5(%arg0: i32, %arg1: i32) -> (i32, i32, i32, i32) {
    %c0_i32 = arith.constant 0 : i32
    %c0_i32_0 = arith.constant 0 : i32
    %c0_i32_1 = arith.constant 0 : i32
    %c0_i32_2 = arith.constant 0 : i32
    return %arg0, %c0_i32, %c0_i32_0, %c0_i32_1 : i32, i32, i32, i32
  }
}

</mosaic_0001>

<sc_bundles>
// kernel: gather_offload_async_start.1
scs
__scs_entry_jumppad:
0x0: {  	(pc) =	sbr.rel $0x88, $3  }
0x1: {  	(tag) =	ssettag $0x0;
	lr =	simm.s32 $0x1  }
0x2: {  	[smem:$0x3F9D] =	sst lr;
	_ =	strace $0xD0000000  }
0x3: {  	_ = 	snop  }
0x4: {  	_ = 	snop  }
0x5: {  	_ = 	snop  }
0x6: {  	_ = 	snop  }
0x7: {  	_ = 	snop  }
__scs_overlays_trampoline_lowered:
0x8: {  	[smem:$0x3FAC] =	sst s0  }
0x9: {  	[smem:$0x3FAD] =	sst s1  }
0xa: {  	[smem:$0x3FAE] =	sst s2  }
0xb: {  	[smem:$0x3FAF] =	sst s3  }
0xc: {  	[smem:$0x3FB0] =	sst s4  }
0xd: {  	[smem:$0x3FB1] =	sst s5  }
0xe: {  	[smem:$0x3FB2] =	sst s6  }
0xf: {  	[smem:$0x3FB3] =	sst s7  }
0x10: {  	[smem:$0x3FB4] =	sst s8  }
0x11: {  	[smem:$0x3FB5] =	sst s9;
	s0 =	simm.s32 @!p0 $0x0  }
0x12: {  	s1 =	sld [smem:$0x3F9B];
	s0 =	simm.s32 @p0 $0x1  }
0x13: {  	[smem:$0x3FB6] =	sst s0;
	s0 =	simm.s32 @!p1 $0x0  }
0x14: {  	s2 =	sld [smem:$0x3F9A];
	s0 =	simm.s32 @p1 $0x1  }
0x15: {  	[smem:$0x3FB7] =	sst s0;
	s0 =	simm.s32 @!p2 $0x0  }
0x16: {  	s3 =	sld [smem:$0x3FDB];
	s0 =	simm.s32 @p2 $0x1  }
0x17: {  	s4 =	simm.s32 $0x1BF5;
	[smem:$0x3FB9] =	sst s0  }
0x18: {  	s0 =	sld [smem:$0x3F9C];
	_ =	swait.ge [sflag:s4], $0x0  }
0x19: {  	s7 =	sld [smem:$0x3F9D]  }
0x1a: {  	s8 =	sadd.s32 $0xFFFFE003, lr  }
0x1b: {  	s9 =	sadd.s32 $0xFFFFFEF7, lr;
	s5 =	simm.s32 $0xFFFFFFFF;
	p2 =	slt.u32 s8, $0xFFFFF086  }
0x1c: {  	p1 =	slt.u32 s9, $0xF7A;
	s5 =	simm.s32 @!p2 $0x0  }
0x1d: {  	s5 =	simm.s32 @p1 $0x1;
	p0 =	seq.s32 s7, s2  }
0x1e: {  	s7 =	smul.u32 @!p0 $0xF7A, s2;
	p2 =	seq.s32 @!p0 s5, $0x0  }
0x1f: {  	s9 =	smul.u32 $0xF7A, s1;
	s8 =	simm.s32 @!p0 $0x1BF5;
	p2 =	por !p2, p0  }
0x20: {  	[sflag:s8] =	ssyncset.s32 @!p0 $0xFFFFF086;
	s6 =	sadd.s32 @!p0 s3, s7;
	s7 =	simm.s32 @!p0 $0x108  }
0x21: {  	s3 =	sadd.s32 s3, s9;
	s6 =	sadd.s32 @!p0 $0x88, s6;
	s7 =	simm.s32 @p2 $0x1082  }
0x22: {  	[simem:s7], [sflag:s8] =	dma.local @!p0 [hbm:s6], $0xF7A  }
0x23: {  	s9 =	sor.u32 $0xD0000000, s2;
	s6 =	simm.s32 $0x108;
	_ =	swait.ge @!p0 [sflag:s8], $0x0  }
0x24: {  	s3 =	sadd.s32 $0x88, s3;
	s6 =	simm.s32 @!p1 $0x1082;
	[sflag:s4] =	ssyncset.s32 $0xFFFFF086  }
0x25: {  	[simem:s6], [sflag:s4] =	dma.local [hbm:s3], $0xF7A  }
0x26: {  	[smem:$0x3F9D] =	sst s1;
	(tag) =	ssettag s2;
	_ =	strace s9  }
0x27: {  	s1 =	sld [smem:$0x3FAD]  }
0x28: {  	s2 =	sld [smem:$0x3FAE]  }
0x29: {  	s4 =	sld [smem:$0x3FB0]  }
0x2a: {  	p0 =	seq.s32 s5, $0x0;
	s5 =	sld [smem:$0x3FB1]  }
0x2b: {  	s6 =	sld [smem:$0x3FB2]  }
0x2c: {  	s7 =	sld [smem:$0x3FB3]  }
0x2d: {  	s3 =	simm.s32 $0x108;
	s8 =	sld [smem:$0x3FB4]  }
0x2e: {  	s3 =	simm.s32 @!p0 $0x1082;
	s9 =	sld [smem:$0x3FB5]  }
0x2f: {  	lr =	sadd.s32 s0, s3;
	s0 =	sld [smem:$0x3FAC]  }
0x30: {  	s3 =	sld [smem:$0x3FAF]  }
0x31: {  	[smem:$0x3FB8] =	sst s10  }
0x32: {  	s10 =	sld [smem:$0x3FB6];
	_ =	sdelay $0x3  }
0x33: {  	p0 =	seq.s32 s10, $0x1;
	s10 =	sld [smem:$0x3FB8];
	_ =	sdelay $0x3  }
0x34: {  	[smem:$0x3FB8] =	sst s10  }
0x35: {  	s10 =	sld [smem:$0x3FB7];
	_ =	sdelay $0x3  }
0x36: {  	p1 =	seq.s32 s10, $0x1;
	s10 =	sld [smem:$0x3FB8];
	_ =	sdelay $0x3  }
0x37: {  	[smem:$0x3FB8] =	sst s10  }
0x38: {  	s10 =	sld [smem:$0x3FB9]  }
0x39: {  	_ = 	snop;
	(pc) =	sbr.ind lr, $3  }
0x3a: {  	_ = 	snop  }
0x3b: {  	_ = 	snop  }
0x3c: {  	p2 =	seq.s32 s10, $0x1;
	s10 =	sld [smem:$0x3FB8]  }
0x3d: {  	_ =	shalt  }
0x3e: {  	_ =	shalt  }
0x3f: {  	_ =	shalt  }
0x40: {  	_ =	shalt  }
0x41: {  	_ =	shalt  }
0x42: {  	_ =	shalt  }
0x43: {  	_ =	shalt  }
0x44: {  	_ =	shalt  }
0x45: {  	_ =	shalt  }
0x46: {  	_ =	shalt  }
0x47: {  	_ =	shalt  }
0x48: {  	_ =	shalt  }
0x49: {  	_ =	shalt  }
0x4a: {  	_ =	shalt  }
0x4b: {  	_ =	shalt  }
0x4c: {  	_ =	shalt  }
0x4d: {  	_ =	shalt  }
0x4e: {  	_ =	shalt  }
0x4f: {  	_ =	shalt  }
0x50: {  	_ =	shalt  }
0x51: {  	_ =	shalt  }
0x52: {  	_ =	shalt  }
0x53: {  	_ =	shalt  }
0x54: {  	_ =	shalt  }
0x55: {  	_ =	shalt  }
0x56: {  	_ =	shalt  }
0x57: {  	_ =	shalt  }
0x58: {  	_ =	shalt  }
0x59: {  	_ =	shalt  }
0x5a: {  	_ =	shalt  }
0x5b: {  	_ =	shalt  }
0x5c: {  	_ =	shalt  }
0x5d: {  	_ =	shalt  }
0x5e: {  	_ =	shalt  }
0x5f: {  	_ =	shalt  }
0x60: {  	_ =	shalt  }
0x61: {  	_ =	shalt  }
0x62: {  	_ =	shalt  }
0x63: {  	_ =	shalt  }
0x64: {  	_ =	shalt  }
0x65: {  	_ =	shalt  }
0x66: {  	_ =	shalt  }
0x67: {  	_ =	shalt  }
0x68: {  	_ =	shalt  }
0x69: {  	_ =	shalt  }
0x6a: {  	_ =	shalt  }
0x6b: {  	_ =	shalt  }
0x6c: {  	_ =	shalt  }
0x6d: {  	_ =	shalt  }
0x6e: {  	_ =	shalt  }
0x6f: {  	_ =	shalt  }
0x70: {  	_ =	shalt  }
0x71: {  	_ =	shalt  }
0x72: {  	_ =	shalt  }
0x73: {  	_ =	shalt  }
0x74: {  	_ =	shalt  }
0x75: {  	_ =	shalt  }
0x76: {  	_ =	shalt  }
0x77: {  	_ =	shalt  }
0x78: {  	_ =	shalt  }
0x79: {  	_ =	shalt  }
0x7a: {  	_ =	shalt  }
0x7b: {  	_ =	shalt  }
0x7c: {  	_ =	shalt  }
0x7d: {  	_ =	shalt  }
0x7e: {  	_ =	shalt  }
0x7f: {  	_ =	shalt  }
0x80: {  	_ =	shalt  }
0x81: {  	_ =	shalt  }
0x82: {  	_ =	shalt  }
0x83: {  	_ =	shalt  }
0x84: {  	_ =	shalt  }
0x85: {  	_ =	shalt  }
0x86: {  	_ =	shalt  }
0x87: {  	_ =	shalt  }
.Lfunc_end0:
.L_simem_size_0:
called_computation.1_lowered:
.L_overlay_start_0:
0x88: {  	s2 =	sld [smem:$0x3FD9]  }
0x89: {  	s3 =	sld [smem:$0x3FFE];
	_ =	sdelay $0x1  }
0x8a: {  	s1 =	srdreg.scid  }
0x8b: {  	s0 =	sand.u32 $0x1, s1  }
0x8c: {  	s14 =	sshll.u32 s0, $0xA;
	s2 =	sadd.s32 s3, s2  }
0x8d: {  	s2 =	sadd.s32 s2, s14  }
0x8e: {  	[smem:$0x3FC4] =	sst s2  }
0x8f: {  	_ = 	snop  }
0x90: {  	s2 =	sld [smem:$0x3FD0];
	_ =	sdelay $0x2  }
0x91: {  	s15 =	simm.s32 $0xB;
	s4 =	simm.s32 $0x10  }
0x92: {  	[smem:s4], [sflag:s15] =	dma.local [hbm:s2], $0x1  }
0x93: {  	_ =	swait.eq [sflag:s15], $0x1  }
0x94: {  	[sflag:s15] =	ssyncset.done $0x0  }
0x95: {  	[sflag:s15] =	ssyncadd.s32 $0xFFFFFFFF  }
0x96: {  	s16 =	sld [smem:$0x10];
	(tm) =	ssettm $0x1  }
0x97: {  	s17 =	sld [smem:$0x3FFB];
	_ =	sdelay $0x3  }
0x98: {  	_ =	strace s17  }
0x99: {  	s3 =	sld [smem:$0x3FFC];
	_ =	sdelay $0x3  }
0x9a: {  	_ =	strace s3  }
0x9b: {  	s3 =	sld [smem:$0x3FFD];
	_ =	sdelay $0x3  }
0x9c: {  	_ =	strace s3  }
0x9d: {  	_ =	strace $0x8FFFFFFF  }
0x9e: {  	s18 =	sld [smem:$0x3FDB];
	_ =	sdelay $0x1  }
0x9f: {  	s19 =	simm.s32 $_scs_section_size  }
0xa0: {  	s5 =	simm.s32 $_size__tile_overlayer_lowered;
	s6 =	simm.s32 $_tile_overlayer_lowered  }
0xa1: {  	s22 =	simm.s32 $0x1BFF;
	s21 =	sshll.u32 s6, $0x1;
	s3 =	sadd.s32 s19, s18  }
0xa2: {  	s7 =	simm.s32 $0x0;
	s20 =	sshll.u32 s5, $0x1;
	s5 =	sadd.s32 s21, s3  }
0xa3: {  	[timem:s7], [sflag:s22] =	dma.local [hbm:s5], s20  }
0xa4: {  	_ =	swait.ge [sflag:s22], s20  }
0xa5: {  	s4 =	ssub.s32 $0x0, s20;
	[sflag:s22] =	ssyncset.done $0x0  }
0xa6: {  	[sflag:s22] =	ssyncadd.s32 s4;
	_ =	sdelay $0x1  }
0xa7: {  	s23 =	simm.s32 $0x1B8B  }
0xa8: {  	_ =	swait.ge [sflag:s23], $0x1  }
0xa9: {  	[sflag:s23] =	ssyncset.done $0x0  }
0xaa: {  	s25 =	simm.s32 $0x1B8E;
	s24 =	sld [smem:$0x3FFE];
	[sflag:s23] =	ssyncadd.s32 $0xFFFFFFFF  }
0xab: {  	s26 =	simm.s32 $execute0_lowered;
	[smem:$0x3FD2] =	sst s25  }
0xac: {  	s5 =	sshll.u32 s26, $0x1;
	_ =	strace $0x80000049;
	[dreg:$0x1] =	wrdreg $0xFFFFFFFF  }
0xad: {  	s28 =	simm.s32 $_size_execute0_lowered;
	s3 =	sadd.s32 s3, s5;
	[dreg:$0x0] =	wrdreg $0x0  }
0xae: {  	s5 =	sshll.u32 s28, $0x1;
	[dreg:$0x2] =	wrdreg s3  }
0xaf: {  	[dreg:$0x3] =	wrdreg s5  }
0xb0: {  	[dreg:$0x4] =	wrdreg $0xC0  }
0xb1: {  	_ =	task [dreg:s7], $0x5FFFF  }
0xb2: {  	[dreg:$0x1] =	wrdreg $0xFFFFFFFF  }
0xb3: {  	[dreg:$0x0] =	wrdreg $0x60  }
0xb4: {  	[dreg:$0x2] =	wrdreg s24  }
0xb5: {  	[dreg:$0x3] =	wrdreg s16  }
0xb6: {  	[dreg:$0x4] =	wrdreg $0x9  }
0xb7: {  	_ =	task.clear_ibuf [dreg:s7], $0x5FFFF;
	_ =	strace $0x90000049  }
0xb8: {  	s29 =	simm.s32 $0x9;
	_ =	strace $0x8000004B  }
0xb9: {  	_ =	swait.ge [sflag:s29], $0x1  }
0xba: {  	[sflag:s29] =	ssyncadd.s32 $0xFFFFFFFF  }
0xbb: {  	_ =	strace $0x9000004B  }
0xbc: {  	_ =	sfence  }
0xbd: {  	s30 =	sld [smem:$0x0];
	_ =	sdelay $0x2  }
0xbe: {  	s31 =	sshll.u32 s1, $0xD;
	s1 =	sshrl.u32 s1, $0x2  }
0xbf: {  	s3 =	sand.u32 $0x4000, s31;
	s1 =	sadd.s32 s1, s30  }
0xc0: {  	s0 =	sor.u32 s3, s0;
	s1 =	sshll.u32 s1, $0x11  }
0xc1: {  	s0 =	sor.u32 s1, s0  }
0xc2: {  	s0 =	sadd.s32 $0x8F2B, s0  }
0xc3: {  	[sflag:s0] =	ssyncadd.remote.s32 $0x1  }
0xc4: {  	_ =	sfence.sel $0xFFFF  }
0xc5: {  	[dreg:$0x0] =	wrdreg $0xFFFFFFFF;
	(pc) =	sbr.abs _section_cstart, $3  }
0xc6: {  	[dreg:$0x1] =	wrdreg $0xFFFFFFFF  }
0xc7: {  	_ =	task.clear_ibuf [dreg:s7], $0x2FFFF;
	_ =	strace $0x9FFFFFFF  }
0xc8: {  	(tm) =	ssettm $0x7FFFFFFF  }
0xc9: {  	_ =	shalt  }
tec
execute0_lowered:
.L_overlay_start_1:
0x0: {  	(tag) =	ssettag $0x1  }
0x1: {  	s0 =	srdreg.scid  }
0x2: {  	s1 =	sshll.u32 s0, $0x4  }
0x3: {  	s0 =	stileid.u32;
	s1 =	sand.u32 $0x10, s1  }
0x4: {  	s2 =	sor.u32 s0, s1  }
0x5: {  	s1 =	smin.u32 s2, $0x12  }
0x6: {  	s1 =	sadd.s32 s2, s1  }
0x7: {  	p0 =	slt.u32 s2, $0x12;
	s2 =	simm.s32 $0x280;
	s1 =	smul.u32 $0x140, s1  }
0x8: {  	s2 =	simm.s32 @!p0 $0x140  }
0x9: {  	s2 =	sadd.s32 s2, s1  }
0xa: {  	s3 =	smin.u32 s2, $0x3E80  }
0xb: {  	s7 =	ssub.s32 s3, s1  }
0xc: {  	p0 =	sgt.s32 s7, $0x0  }
0xd: {  	s7 =	simm.s32 @!p0 $0x0  }
0xe: {  	s9 =	rddreg [dreg:$0x0];
	s31 =	smul.u32 $0xCCCD, s7  }
0xf: {  	s4 =	rddreg [dreg:$0x1];
	s6 =	simm.s32 $0x1  }
0x10: {  	s11 =	simm.s32 $0x3;
	s13 =	simm.s32 $0x0;
	s8 =	sshrl.u32 s31, $0x18  }
0x11: {  	s12 =	simm.s32 $0x0;
	s5 =	sadd.s32 $0x4E2C00, s9;
	s10 =	smul.u32 $0x140, s8  }
.Ltmp0:
0x12: {  	s9 =	sadd.s32 $0x521400, s9;
	s2 =	rddreg [dreg:$0x2];
	(pc) =	sbr.rel .LBB2_1-.Ltmp0, $4  }
0x13: {  	_ =	strace $0x8000004A;
	p0 =	sne.s32 s7, s10;
	s10 =	simm.s32 $0x1  }
0x14: {  	[sflag:s6] =	ssyncpa.u1 $0x0;
	s7 =	simm.s32 $0x2;
	s10 =	simm.s32 @!p0 $0x0  }
0x15: {  	[sflag:s7] =	ssyncpa.u1 $0x0;
	p0 =	por $0x0, $0x0;
	s8 =	sadd.s32 s8, s10  }
0x16: {  	vm0 =	vmmov $0xff;
	vm1 =	vcmask $0x3F20;
	[sflag:s11] =	ssyncpa.u1 $0x0;
	s11 =	smov.u32 s1;
	s10 =	sadd.s32 $0x1, s8  }
.LBB2_6:
0x17: {  	[hbm:s17] =	stream.linear.scatter [tilespmem:s14], [sflag:$0x3], $0x400, $0x38;
	[tilespmem:$0x14280] =	vst v63  }
.LBB2_7:
0x18: {  	s13 =	sadd.s32 $0x140, s11  }
0x19: {  	s15 =	smov.u32 s1;
	p2 =	slt.s32 s13, s3  }
0x1a: {  	s15 =	smov.u32 @p2 s13;
	p2 =	sne.s32 s12, s10  }
.Ltmp1:
0x1b: {  	p1 =	slt.u32 s12, $0x2;
	(pc) =	sbr.rel @!p2 .LBB2_8-.Ltmp1, $4  }
0x1c: {  	s14 =	simm.s32 @!p1 $0x3  }
0x1d: {  	s16 =	sadd.s32 $0x1, s12;
	_ =	swait.ge @!p1 [sflag:s14], $0xA000  }
0x1e: {  	p0 =	por !p0, !p0;
	s13 =	smov.u32 s11;
	[sflag:s14] =	ssyncset.done @!p1 $0x0  }
0x1f: {  	s12 =	smov.u32 s16;
	s11 =	smov.u32 s15;
	[sflag:s14] =	ssyncadd.s32 @!p1 $0xFFFF6000  }
.LBB2_1:
0x20: {  	p1 =	sge.u32 s12, s8  }
0x21: {  	s14 =	sxor.u32 @!p1 $0xFFFFFFFF, s12  }
0x22: {  	s14 =	sand.u32 @!p1 $0x1, s14  }
0x23: {  	s14 =	smul.u32 @!p1 $0x500, s14  }
0x24: {  	s31 =	sadd.s32 $0xFFFFFFFF, s12;
	s15 =	sshrl.u32 @!p1 s11, $0x3  }
0x25: {  	s16 =	sand.u32 @!p1 $0x7, s11;
	s15 =	sadd.s32 @!p1 s4, s15;
	s14 =	sshrl.u32 @!p1 s14, $0x2  }
0x26: {  	[tilespmem:s14], [sflag:$0x2] =	stream.linear.gather @!p1 [hbm4b:s15+s16], $0x140, $0x38;
	[tilespmem:$0x14280] =	vst v63  }
0x27: {  	p1 =	sge.u32 s31, s8  }
.Ltmp2:
0x28: {  	_ = 	snop;
	(pc) =	sbr.rel @p1 .LBB2_7-.Ltmp2, $1  }
0x29: {  	_ =	sdelay $0x3  }
0x2a: {  	s14 =	simm.s32 $0x1  }
0x2b: {  	s14 =	simm.s32 @!p0 $0x0  }
0x2c: {  	s15 =	smul.u32 $0x500, s14  }
0x2d: {  	_ =	swait.ge [sflag:s7], $0x140  }
0x2e: {  	[sflag:s7] =	ssyncset.done $0x0;
	s16 =	sshrl.u32 s15, $0x2  }
0x2f: {  	[sflag:s7] =	ssyncadd.s32 $0xFFFFFEC0;
	s15 =	sadd.s32 $0x0, s16  }
0x30: {  	v0 =	vld.msk [tilespmem:s15+$0x0 ss:$0x1], $0xffff;
	_ =	sdelay $0x4  }
0x31: {  	v1 =	vand.u32 $0xF, v0;
	v2 =	vshll.u32 v0, $0x3  }
0x32: {  	vm2 =	veq.s32 v0, $0x80000000;
	v0 =	vmul.u32 $0x1F400, v1;
	v1 =	vand.u32 $0x1FF80, v2  }
0x33: {  	v1 =	vsel vm2, $0xFFFFFF80, v1  }
0x34: {  	v0 =	vsel vm2, $0xFFFE0C00, v0;
	v2 =	vand.u32 $0xFFFFFC00, v1  }
0x35: {  	v1 =	vand.u32 $0x380, v1;
	v0 =	vadd.s32 v0, v2  }
0x36: {  	v0 =	vor.u32 v1, v0  }
0x37: {  	v0 =	vshrl.u32 v0, $0x3  }
0x38: {  	s14 =	smul.u32 $0x28000, s14;
	_ =	sdelay $0x1  }
0x39: {  	s14 =	sshrl.u32 s14, $0x2  }
0x3a: {  	s14 =	sor.u32 $0x280, s14  }
0x3b: {  	[tilespmem:s14], [sflag:$0x1] =	stream.indirect_vreg.gather [hbm:s5], $0x80, v0, vm0, $0x38;
	[tilespmem:$0x14280] =	vst v63  }
0x3c: {  	s17 =	sadd.s32 $0x10, s16;
	s15 =	sadd.s32 $0x400, s14  }
0x3d: {  	[tilespmem:s15], [sflag:$0x1] =	stream.indirect_vreg.gather [hbm:s5], $0x80, v0, vm1, $0x38;
	[tilespmem:$0x14280] =	vst v63  }
0x3e: {  	s18 =	simm.s32 $0x80;
	v0 =	vld.msk [tilespmem:s17+$0x0 ss:$0x1], $0xffff;
	s17 =	smov.u32 s14  }
.LBB2_3:
0x3f: {  	p1 =	sne.s32 s18, $0x4C0;
	_ =	sdelay $0x4  }
0x40: {  	v1 =	vand.u32 $0xF, v0;
	v2 =	vshll.u32 v0, $0x3  }
0x41: {  	vm2 =	veq.s32 v0, $0x80000000;
	v0 =	vmul.u32 $0x1F400, v1;
	v1 =	vand.u32 $0x1FF80, v2  }
0x42: {  	v1 =	vsel vm2, $0xFFFFFF80, v1  }
0x43: {  	v0 =	vsel vm2, $0xFFFE0C00, v0;
	v2 =	vand.u32 $0xFFFFFC00, v1  }
0x44: {  	v1 =	vand.u32 $0x380, v1;
	v0 =	vadd.s32 v0, v2  }
0x45: {  	v0 =	vor.u32 v1, v0  }
0x46: {  	v0 =	vshrl.u32 v0, $0x3;
	_ =	sdelay $0x3  }
.Ltmp3:
0x47: {  	s19 =	sshra.s32 s18, $0x2;
	s17 =	sadd.s32 $0x800, s17;
	(pc) =	sbr.rel @p1 .LBB2_3-.Ltmp3, $4  }
0x48: {  	[tilespmem:s17], [sflag:$0x1] =	stream.indirect_vreg.gather [hbm:s5], $0x80, v0, vm0, $0x38;
	[tilespmem:$0x14280] =	vst v63  }
0x49: {  	s19 =	sadd.s32 s19, s16;
	s20 =	sadd.s32 $0x400, s17  }
0x4a: {  	[tilespmem:s20], [sflag:$0x1] =	stream.indirect_vreg.gather [hbm:s5], $0x80, v0, vm1, $0x38;
	[tilespmem:$0x14280] =	vst v63  }
0x4b: {  	s18 =	sadd.s32 $0x40, s18;
	v0 =	vld.msk [tilespmem:s19+$0x0 ss:$0x1], $0xffff  }
0x4c: {  	_ =	sdelay $0x3  }
0x4d: {  	v1 =	vand.u32 $0xF, v0;
	v2 =	vshll.u32 v0, $0x3  }
0x4e: {  	vm2 =	veq.s32 v0, $0x80000000;
	v61 =	vmul.u32 $0x1F400, v1;
	v62 =	vand.u32 $0x1FF80, v2  }
0x4f: {  	v1 =	vsel vm2, $0xFFFFFF80, v62  }
0x50: {  	v0 =	vsel vm2, $0xFFFE0C00, v61;
	v63 =	vand.u32 $0xFFFFFC00, v1  }
0x51: {  	v1 =	vand.u32 $0x380, v1;
	v0 =	vadd.s32 v0, v63  }
0x52: {  	v0 =	vor.u32 v1, v0  }
0x53: {  	v0 =	vshrl.u32 v0, $0x3;
	_ =	sdelay $0x3  }
0x54: {  	s16 =	sadd.s32 $0x800, s17  }
0x55: {  	[tilespmem:s16], [sflag:$0x1] =	stream.indirect_vreg.gather [hbm:s5], $0x80, v0, vm0, $0x38;
	[tilespmem:$0x14280] =	vst v63  }
0x56: {  	s16 =	sadd.s32 $0x400, s16  }
0x57: {  	[tilespmem:s16], [sflag:$0x1] =	stream.indirect_vreg.gather [hbm:s5], $0x80, v0, vm1, $0x38;
	[tilespmem:$0x14280] =	vst v63  }
0x58: {  	s13 =	sshll.u32 s13, $0x4;
	_ =	swait.ge [sflag:s6], $0xA000  }
0x59: {  	s13 =	sadd.s32 s13, s9;
	[sflag:s6] =	ssyncset.done $0x0  }
0x5a: {  	s17 =	sadd.s32 $0x0, s13;
	s16 =	simm.s32 $0x80;
	[sflag:s6] =	ssyncadd.s32 $0xFFFF6000  }
.LBB2_5:
0x5b: {  	[hbm:s17] =	stream.linear.scatter [tilespmem:s14], [sflag:$0x3], $0x400, $0x38;
	[tilespmem:$0x14280] =	vst v63  }
0x5c: {  	s17 =	smov.u32 s16;
	s14 =	smov.u32 s15;
	p1 =	sne.s32 s16, $0x1380  }
.Ltmp4:
0x5d: {  	s16 =	sadd.s32 $0x80, s16;
	(pc) =	sbr.rel @p1 .LBB2_5-.Ltmp4, $2  }
0x5e: {  	_ =	sdelay $0x2  }
0x5f: {  	s15 =	sadd.s32 $0x400, s15;
	s17 =	sadd.s32 s17, s13  }
.Ltmp5:
0x60: {  	_ = 	snop;
	(pc) =	sbr.rel .LBB2_6-.Ltmp5, $1  }
0x61: {  	_ =	sdelay $0x3  }
.LBB2_8:
0x62: {  	_ =	sfence.sel $0x180000  }
0x63: {  	s1 =	simm.s32 $0x2;
	[bflag:$0x0] =	sbarrier.arrive $0xFFFF  }
0x64: {  	s30 =	simm.s32 $0x3;
	[sflag:s1] =	ssyncpa.u1 $0x1  }
0x65: {  	s31 =	simm.s32 $0x1;
	[sflag:s30] =	ssyncpa.u1 $0x1  }
0x66: {  	[sflag:s31] =	ssyncpa.u1 $0x1  }
0x67: {  	p0 =	sne.s32 s0, $0x0;
	_ =	strace $0x9000004A  }
0x68: {  	s0 =	sadd.s32 @!p0 $0x100000, s2;
	[bflag:$0x2] =	sbarrier.arrive $0xFFFF  }
0x69: {  	[sflag:s0] =	ssyncadd.tile.s32 @!p0 $0x1;
	_ =	shalt  }
.Lfunc_end2:
_tile_overlayer_lowered:
.L_overlay_start_2:
0x6a: {  	(tag) =	ssettag $0x2  }
0x6b: {  	s0 =	rddreg [dreg:$0x0];
	s2 =	stileid.u32  }
0x6c: {  	s1 =	rddreg [dreg:$0x1];
	p0 =	sne.s32 s2, $0x0  }
0x6d: {  	s3 =	rddreg [dreg:$0x2];
	[bflag:$0x3] =	sbarrier.arrive $0xFFFF;
	s2 =	simm.s32 @!p0 $0x1C01  }
0x6e: {  	[timem:s3], [sflag:s2] =	dma.local @!p0 [hbm:s0], s1  }
0x6f: {  	s0 =	simm.s32 @!p0 $0x1  }
0x70: {  	_ =	swait.ge @!p0 [sflag:s0], s1  }
0x71: {  	s1 =	ssub.s32 @!p0 $0x0, s1;
	[sflag:s0] =	ssyncset.done @!p0 $0x0  }
0x72: {  	[sflag:s0] =	ssyncadd.s32 @!p0 s1  }
0x73: {  	[bflag:$0x3] =	sbarrier.arrive $0xFFFF  }
0x74: {  	_ =	shalt  }

// kernel: gather_offload_async_start.2
scs
__scs_entry_jumppad:
0x0: {  	(pc) =	sbr.rel $0x88, $3  }
0x1: {  	(tag) =	ssettag $0x0;
	lr =	simm.s32 $0x1  }
0x2: {  	[smem:$0x3F9D] =	sst lr;
	_ =	strace $0xD0000000  }
0x3: {  	_ = 	snop  }
0x4: {  	_ = 	snop  }
0x5: {  	_ = 	snop  }
0x6: {  	_ = 	snop  }
0x7: {  	_ = 	snop  }
__scs_overlays_trampoline_lowered:
0x8: {  	[smem:$0x3FAC] =	sst s0  }
0x9: {  	[smem:$0x3FAD] =	sst s1  }
0xa: {  	[smem:$0x3FAE] =	sst s2  }
0xb: {  	[smem:$0x3FAF] =	sst s3  }
0xc: {  	[smem:$0x3FB0] =	sst s4  }
0xd: {  	[smem:$0x3FB1] =	sst s5  }
0xe: {  	[smem:$0x3FB2] =	sst s6  }
0xf: {  	[smem:$0x3FB3] =	sst s7  }
0x10: {  	[smem:$0x3FB4] =	sst s8  }
0x11: {  	[smem:$0x3FB5] =	sst s9;
	s0 =	simm.s32 @!p0 $0x0  }
0x12: {  	s1 =	sld [smem:$0x3F9B];
	s0 =	simm.s32 @p0 $0x1  }
0x13: {  	[smem:$0x3FB6] =	sst s0;
	s0 =	simm.s32 @!p1 $0x0  }
0x14: {  	s2 =	sld [smem:$0x3F9A];
	s0 =	simm.s32 @p1 $0x1  }
0x15: {  	[smem:$0x3FB7] =	sst s0;
	s0 =	simm.s32 @!p2 $0x0  }
0x16: {  	s3 =	sld [smem:$0x3FDB];
	s0 =	simm.s32 @p2 $0x1  }
0x17: {  	s4 =	simm.s32 $0x1BF5;
	[smem:$0x3FB9] =	sst s0  }
0x18: {  	s0 =	sld [smem:$0x3F9C];
	_ =	swait.ge [sflag:s4], $0x0  }
0x19: {  	s7 =	sld [smem:$0x3F9D]  }
0x1a: {  	s8 =	sadd.s32 $0xFFFFE003, lr  }
0x1b: {  	s9 =	sadd.s32 $0xFFFFFEF7, lr;
	s5 =	simm.s32 $0xFFFFFFFF;
	p2 =	slt.u32 s8, $0xFFFFF086  }
0x1c: {  	p1 =	slt.u32 s9, $0xF7A;
	s5 =	simm.s32 @!p2 $0x0  }
0x1d: {  	s5 =	simm.s32 @p1 $0x1;
	p0 =	seq.s32 s7, s2  }
0x1e: {  	s7 =	smul.u32 @!p0 $0xF7A, s2;
	p2 =	seq.s32 @!p0 s5, $0x0  }
0x1f: {  	s9 =	smul.u32 $0xF7A, s1;
	s8 =	simm.s32 @!p0 $0x1BF5;
	p2 =	por !p2, p0  }
0x20: {  	[sflag:s8] =	ssyncset.s32 @!p0 $0xFFFFF086;
	s6 =	sadd.s32 @!p0 s3, s7;
	s7 =	simm.s32 @!p0 $0x108  }
0x21: {  	s3 =	sadd.s32 s3, s9;
	s6 =	sadd.s32 @!p0 $0x88, s6;
	s7 =	simm.s32 @p2 $0x1082  }
0x22: {  	[simem:s7], [sflag:s8] =	dma.local @!p0 [hbm:s6], $0xF7A  }
0x23: {  	s9 =	sor.u32 $0xD0000000, s2;
	s6 =	simm.s32 $0x108;
	_ =	swait.ge @!p0 [sflag:s8], $0x0  }
0x24: {  	s3 =	sadd.s32 $0x88, s3;
	s6 =	simm.s32 @!p1 $0x1082;
	[sflag:s4] =	ssyncset.s32 $0xFFFFF086  }
0x25: {  	[simem:s6], [sflag:s4] =	dma.local [hbm:s3], $0xF7A  }
0x26: {  	[smem:$0x3F9D] =	sst s1;
	(tag) =	ssettag s2;
	_ =	strace s9  }
0x27: {  	s1 =	sld [smem:$0x3FAD]  }
0x28: {  	s2 =	sld [smem:$0x3FAE]  }
0x29: {  	s4 =	sld [smem:$0x3FB0]  }
0x2a: {  	p0 =	seq.s32 s5, $0x0;
	s5 =	sld [smem:$0x3FB1]  }
0x2b: {  	s6 =	sld [smem:$0x3FB2]  }
0x2c: {  	s7 =	sld [smem:$0x3FB3]  }
0x2d: {  	s3 =	simm.s32 $0x108;
	s8 =	sld [smem:$0x3FB4]  }
0x2e: {  	s3 =	simm.s32 @!p0 $0x1082;
	s9 =	sld [smem:$0x3FB5]  }
0x2f: {  	lr =	sadd.s32 s0, s3;
	s0 =	sld [smem:$0x3FAC]  }
0x30: {  	s3 =	sld [smem:$0x3FAF]  }
0x31: {  	[smem:$0x3FB8] =	sst s10  }
0x32: {  	s10 =	sld [smem:$0x3FB6];
	_ =	sdelay $0x3  }
0x33: {  	p0 =	seq.s32 s10, $0x1;
	s10 =	sld [smem:$0x3FB8];
	_ =	sdelay $0x3  }
0x34: {  	[smem:$0x3FB8] =	sst s10  }
0x35: {  	s10 =	sld [smem:$0x3FB7];
	_ =	sdelay $0x3  }
0x36: {  	p1 =	seq.s32 s10, $0x1;
	s10 =	sld [smem:$0x3FB8];
	_ =	sdelay $0x3  }
0x37: {  	[smem:$0x3FB8] =	sst s10  }
0x38: {  	s10 =	sld [smem:$0x3FB9]  }
0x39: {  	_ = 	snop;
	(pc) =	sbr.ind lr, $3  }
0x3a: {  	_ = 	snop  }
0x3b: {  	_ = 	snop  }
0x3c: {  	p2 =	seq.s32 s10, $0x1;
	s10 =	sld [smem:$0x3FB8]  }
0x3d: {  	_ =	shalt  }
0x3e: {  	_ =	shalt  }
0x3f: {  	_ =	shalt  }
0x40: {  	_ =	shalt  }
0x41: {  	_ =	shalt  }
0x42: {  	_ =	shalt  }
0x43: {  	_ =	shalt  }
0x44: {  	_ =	shalt  }
0x45: {  	_ =	shalt  }
0x46: {  	_ =	shalt  }
0x47: {  	_ =	shalt  }
0x48: {  	_ =	shalt  }
0x49: {  	_ =	shalt  }
0x4a: {  	_ =	shalt  }
0x4b: {  	_ =	shalt  }
0x4c: {  	_ =	shalt  }
0x4d: {  	_ =	shalt  }
0x4e: {  	_ =	shalt  }
0x4f: {  	_ =	shalt  }
0x50: {  	_ =	shalt  }
0x51: {  	_ =	shalt  }
0x52: {  	_ =	shalt  }
0x53: {  	_ =	shalt  }
0x54: {  	_ =	shalt  }
0x55: {  	_ =	shalt  }
0x56: {  	_ =	shalt  }
0x57: {  	_ =	shalt  }
0x58: {  	_ =	shalt  }
0x59: {  	_ =	shalt  }
0x5a: {  	_ =	shalt  }
0x5b: {  	_ =	shalt  }
0x5c: {  	_ =	shalt  }
0x5d: {  	_ =	shalt  }
0x5e: {  	_ =	shalt  }
0x5f: {  	_ =	shalt  }
0x60: {  	_ =	shalt  }
0x61: {  	_ =	shalt  }
0x62: {  	_ =	shalt  }
0x63: {  	_ =	shalt  }
0x64: {  	_ =	shalt  }
0x65: {  	_ =	shalt  }
0x66: {  	_ =	shalt  }
0x67: {  	_ =	shalt  }
0x68: {  	_ =	shalt  }
0x69: {  	_ =	shalt  }
0x6a: {  	_ =	shalt  }
0x6b: {  	_ =	shalt  }
0x6c: {  	_ =	shalt  }
0x6d: {  	_ =	shalt  }
0x6e: {  	_ =	shalt  }
0x6f: {  	_ =	shalt  }
0x70: {  	_ =	shalt  }
0x71: {  	_ =	shalt  }
0x72: {  	_ =	shalt  }
0x73: {  	_ =	shalt  }
0x74: {  	_ =	shalt  }
0x75: {  	_ =	shalt  }
0x76: {  	_ =	shalt  }
0x77: {  	_ =	shalt  }
0x78: {  	_ =	shalt  }
0x79: {  	_ =	shalt  }
0x7a: {  	_ =	shalt  }
0x7b: {  	_ =	shalt  }
0x7c: {  	_ =	shalt  }
0x7d: {  	_ =	shalt  }
0x7e: {  	_ =	shalt  }
0x7f: {  	_ =	shalt  }
0x80: {  	_ =	shalt  }
0x81: {  	_ =	shalt  }
0x82: {  	_ =	shalt  }
0x83: {  	_ =	shalt  }
0x84: {  	_ =	shalt  }
0x85: {  	_ =	shalt  }
0x86: {  	_ =	shalt  }
0x87: {  	_ =	shalt  }
.Lfunc_end0:
.L_simem_size_0:
called_computation.2_lowered:
.L_overlay_start_0:
0x88: {  	s2 =	sld [smem:$0x3FD9]  }
0x89: {  	s3 =	sld [smem:$0x3FFE];
	_ =	sdelay $0x1  }
0x8a: {  	s1 =	srdreg.scid  }
0x8b: {  	s0 =	sand.u32 $0x1, s1  }
0x8c: {  	s17 =	sshll.u32 s0, $0xA;
	s2 =	sadd.s32 s3, s2  }
0x8d: {  	s2 =	sadd.s32 s2, s17  }
0x8e: {  	[smem:$0x3FC4] =	sst s2  }
0x8f: {  	_ = 	snop  }
0x90: {  	(tm) =	ssettm $0x1  }
0x91: {  	s18 =	sld [smem:$0x3FFB];
	_ =	sdelay $0x3  }
0x92: {  	_ =	strace s18  }
0x93: {  	s2 =	sld [smem:$0x3FFC];
	_ =	sdelay $0x3  }
0x94: {  	_ =	strace s2  }
0x95: {  	s2 =	sld [smem:$0x3FFD];
	_ =	sdelay $0x3  }
0x96: {  	_ =	strace s2  }
0x97: {  	_ =	strace $0x8FFFFFFF  }
0x98: {  	s19 =	sld [smem:$0x3FDB];
	_ =	sdelay $0x1  }
0x99: {  	s20 =	simm.s32 $_scs_section_size  }
0x9a: {  	s4 =	simm.s32 $_size__tile_overlayer_lowered;
	s5 =	simm.s32 $_tile_overlayer_lowered  }
0x9b: {  	s6 =	simm.s32 $0x1BFF;
	s21 =	sshll.u32 s5, $0x1;
	s3 =	sadd.s32 s20, s19  }
0x9c: {  	s22 =	simm.s32 $0x0;
	s4 =	sshll.u32 s4, $0x1;
	s5 =	sadd.s32 s21, s3  }
0x9d: {  	[timem:s22], [sflag:s6] =	dma.local [hbm:s5], s4  }
0x9e: {  	_ =	swait.ge [sflag:s6], s4  }
0x9f: {  	s4 =	ssub.s32 $0x0, s4;
	[sflag:s6] =	ssyncset.done $0x0  }
0xa0: {  	[sflag:s6] =	ssyncadd.s32 s4;
	_ =	sdelay $0x1  }
0xa1: {  	s23 =	simm.s32 $0x1B8B  }
0xa2: {  	_ =	swait.ge [sflag:s23], $0x1  }
0xa3: {  	[sflag:s23] =	ssyncset.done $0x0  }
0xa4: {  	[sflag:s23] =	ssyncadd.s32 $0xFFFFFFFF  }
0xa5: {  	s4 =	sld [smem:$0x0]  }
0xa6: {  	s5 =	sand.u32 $0xFFFFFFFE, s1  }
0xa7: {  	p0 =	sne.s32 s1, s5  }
0xa8: {  	s5 =	sshll.u32 @p0 s5, $0xE  }
0xa9: {  	s5 =	sadd.s32 @p0 $0x11B8D, s5;
	s6 =	sshll.u32 @p0 s4, $0x11  }
0xaa: {  	s5 =	sor.u32 @p0 s6, s5  }
0xab: {  	[sflag:s5] =	ssyncadd.remote.s32 @p0 $0x1;
	_ =	sdelay $0x1  }
0xac: {  	s5 =	simm.s32 @p0 $0x1B8D  }
0xad: {  	_ =	swait.eq @p0 [sflag:s5], $0x1  }
0xae: {  	[sflag:s5] =	ssyncadd.s32 @p0 $0xFFFFFFFF  }
0xaf: {  	s6 =	sshll.u32 @!p0 s1, $0xE  }
0xb0: {  	s6 =	sor.u32 @!p0 $0x4000, s6;
	s5 =	simm.s32 @!p0 $0x1B8D  }
0xb1: {  	s4 =	sshll.u32 @!p0 s4, $0x11;
	s6 =	sadd.s32 @!p0 $0x11B8D, s6;
	_ =	swait.eq @!p0 [sflag:s5], $0x1  }
0xb2: {  	s4 =	sor.u32 @!p0 s4, s6;
	[sflag:s5] =	ssyncadd.s32 @!p0 $0xFFFFFFFF  }
0xb3: {  	s25 =	simm.s32 $0x1B8E;
	s24 =	sld [smem:$0x3FFE];
	[sflag:s4] =	ssyncadd.remote.s32 @!p0 $0x1  }
0xb4: {  	s26 =	simm.s32 $execute0_lowered;
	[smem:$0x3FD2] =	sst s25  }
0xb5: {  	s5 =	sshll.u32 s26, $0x1;
	_ =	strace $0x8000004C;
	[dreg:$0x1] =	wrdreg $0xFFFFFFFF  }
0xb6: {  	s28 =	simm.s32 $_size_execute0_lowered;
	s3 =	sadd.s32 s3, s5;
	[dreg:$0x0] =	wrdreg $0x0  }
0xb7: {  	s5 =	sshll.u32 s28, $0x1;
	[dreg:$0x2] =	wrdreg s3  }
0xb8: {  	[dreg:$0x3] =	wrdreg s5  }
0xb9: {  	[dreg:$0x4] =	wrdreg $0xC0  }
0xba: {  	_ =	task [dreg:s22], $0x5FFFF  }
0xbb: {  	[dreg:$0x1] =	wrdreg $0xFFFFFFFF  }
0xbc: {  	[dreg:$0x0] =	wrdreg $0x60  }
0xbd: {  	[dreg:$0x2] =	wrdreg s24  }
0xbe: {  	[dreg:$0x3] =	wrdreg $0xA  }
0xbf: {  	_ =	task.clear_ibuf [dreg:s22], $0x4FFFF;
	_ =	strace $0x9000004C  }
0xc0: {  	s29 =	simm.s32 $0xA;
	_ =	strace $0x8000004E  }
0xc1: {  	_ =	swait.ge [sflag:s29], $0x1  }
0xc2: {  	[sflag:s29] =	ssyncadd.s32 $0xFFFFFFFF  }
0xc3: {  	_ =	strace $0x9000004E  }
0xc4: {  	_ =	sfence  }
0xc5: {  	s30 =	sld [smem:$0x0];
	_ =	sdelay $0x2  }
0xc6: {  	s31 =	sshll.u32 s1, $0xD;
	s1 =	sshrl.u32 s1, $0x2  }
0xc7: {  	s4 =	sand.u32 $0x4000, s31;
	s1 =	sadd.s32 s1, s30  }
0xc8: {  	s0 =	sor.u32 s4, s0;
	s1 =	sshll.u32 s1, $0x11  }
0xc9: {  	s0 =	sor.u32 s1, s0  }
0xca: {  	s0 =	sadd.s32 $0x8F2B, s0  }
0xcb: {  	[sflag:s0] =	ssyncadd.remote.s32 $0x1  }
0xcc: {  	_ =	sfence.sel $0xFFFF  }
0xcd: {  	[dreg:$0x0] =	wrdreg $0xFFFFFFFF;
	(pc) =	sbr.abs _section_cstart, $3  }
0xce: {  	[dreg:$0x1] =	wrdreg $0xFFFFFFFF  }
0xcf: {  	_ =	task.clear_ibuf [dreg:s22], $0x2FFFF;
	_ =	strace $0x9FFFFFFF  }
0xd0: {  	(tm) =	ssettm $0x7FFFFFFF  }
0xd1: {  	_ =	shalt  }
tec
execute0_lowered:
.L_overlay_start_1:
0x0: {  	(tag) =	ssettag $0x1  }
0x1: {  	s0 =	srdreg.scid  }
0x2: {  	s1 =	sshll.u32 s0, $0x4  }
0x3: {  	s0 =	stileid.u32;
	s1 =	sand.u32 $0x10, s1  }
0x4: {  	s1 =	sor.u32 s0, s1  }
0x5: {  	s2 =	smin.u32 s1, $0x12  }
0x6: {  	s2 =	sadd.s32 s1, s2  }
0x7: {  	p0 =	slt.u32 s1, $0x12;
	s1 =	simm.s32 $0x280;
	s2 =	smul.u32 $0x140, s2  }
0x8: {  	s1 =	simm.s32 @!p0 $0x140  }
0x9: {  	s1 =	sadd.s32 s1, s2  }
0xa: {  	s3 =	smin.u32 s1, $0x3E80  }
0xb: {  	s7 =	ssub.s32 s3, s2  }
0xc: {  	p0 =	sgt.s32 s7, $0x0  }
0xd: {  	s7 =	simm.s32 @!p0 $0x0  }
0xe: {  	s31 =	smul.u32 $0xCCCD, s7  }
0xf: {  	s4 =	rddreg [dreg:$0x0];
	s6 =	simm.s32 $0x1  }
0x10: {  	s10 =	simm.s32 $0x3;
	s13 =	simm.s32 $0x0;
	s8 =	sshrl.u32 s31, $0x18  }
0x11: {  	s12 =	simm.s32 $0x0;
	s5 =	sadd.s32 $0x4E2400, s4;
	s9 =	smul.u32 $0x140, s8  }
.Ltmp0:
0x12: {  	s11 =	smov.u32 s2;
	s1 =	rddreg [dreg:$0x1];
	(pc) =	sbr.rel .LBB2_1-.Ltmp0, $4  }
0x13: {  	_ =	strace $0x8000004D;
	p0 =	sne.s32 s7, s9;
	s9 =	simm.s32 $0x1  }
0x14: {  	[sflag:s6] =	ssyncpa.u1 $0x0;
	s7 =	simm.s32 $0x2;
	s9 =	simm.s32 @!p0 $0x0  }
0x15: {  	[sflag:s7] =	ssyncpa.u1 $0x0;
	p0 =	por $0x0, $0x0;
	s8 =	sadd.s32 s8, s9  }
0x16: {  	vm0 =	vmmov $0xff;
	vm1 =	vcmask $0x3F20;
	s9 =	sadd.s32 $0x55FC00, s4;
	[sflag:s10] =	ssyncpa.u1 $0x0;
	s10 =	sadd.s32 $0x1, s8  }
.LBB2_6:
0x17: {  	[hbm:s17] =	stream.linear.scatter [tilespmem:s14], [sflag:$0x3], $0x400, $0x38;
	[tilespmem:$0x14280] =	vst v63  }
.LBB2_7:
0x18: {  	s13 =	sadd.s32 $0x140, s11  }
0x19: {  	s15 =	smov.u32 s2;
	p2 =	slt.s32 s13, s3  }
0x1a: {  	s15 =	smov.u32 @p2 s13;
	p2 =	sne.s32 s12, s10  }
.Ltmp1:
0x1b: {  	p1 =	slt.u32 s12, $0x2;
	(pc) =	sbr.rel @!p2 .LBB2_8-.Ltmp1, $4  }
0x1c: {  	s14 =	simm.s32 @!p1 $0x3  }
0x1d: {  	s16 =	sadd.s32 $0x1, s12;
	_ =	swait.ge @!p1 [sflag:s14], $0xA000  }
0x1e: {  	p0 =	por !p0, !p0;
	s13 =	smov.u32 s11;
	[sflag:s14] =	ssyncset.done @!p1 $0x0  }
0x1f: {  	s12 =	smov.u32 s16;
	s11 =	smov.u32 s15;
	[sflag:s14] =	ssyncadd.s32 @!p1 $0xFFFF6000  }
.LBB2_1:
0x20: {  	p1 =	sge.u32 s12, s8  }
0x21: {  	s14 =	sxor.u32 @!p1 $0xFFFFFFFF, s12  }
0x22: {  	s14 =	sand.u32 @!p1 $0x1, s14  }
0x23: {  	s14 =	smul.u32 @!p1 $0x500, s14  }
0x24: {  	s31 =	sadd.s32 $0xFFFFFFFF, s12;
	s15 =	sshrl.u32 @!p1 s11, $0x3  }
0x25: {  	s16 =	sand.u32 @!p1 $0x7, s11;
	s15 =	sadd.s32 @!p1 s5, s15;
	s14 =	sshrl.u32 @!p1 s14, $0x2  }
0x26: {  	[tilespmem:s14], [sflag:$0x2] =	stream.linear.gather @!p1 [hbm4b:s15+s16], $0x140, $0x38;
	[tilespmem:$0x14280] =	vst v63  }
0x27: {  	p1 =	sge.u32 s31, s8  }
.Ltmp2:
0x28: {  	_ = 	snop;
	(pc) =	sbr.rel @p1 .LBB2_7-.Ltmp2, $1  }
0x29: {  	_ =	sdelay $0x3  }
0x2a: {  	s14 =	simm.s32 $0x1  }
0x2b: {  	s14 =	simm.s32 @!p0 $0x0  }
0x2c: {  	s15 =	smul.u32 $0x500, s14  }
0x2d: {  	_ =	swait.ge [sflag:s7], $0x140  }
0x2e: {  	[sflag:s7] =	ssyncset.done $0x0;
	s16 =	sshrl.u32 s15, $0x2  }
0x2f: {  	[sflag:s7] =	ssyncadd.s32 $0xFFFFFEC0;
	s15 =	sadd.s32 $0x0, s16  }
0x30: {  	v0 =	vld.msk [tilespmem:s15+$0x0 ss:$0x1], $0xffff;
	_ =	sdelay $0x4  }
0x31: {  	v1 =	vand.u32 $0xF, v0;
	v2 =	vshll.u32 v0, $0x3  }
0x32: {  	vm2 =	veq.s32 v0, $0x80000000;
	v0 =	vmul.u32 $0x271000, v1;
	v1 =	vand.u32 $0x3FFF80, v2  }
0x33: {  	v1 =	vsel vm2, $0xFFFFFF80, v1  }
0x34: {  	v0 =	vsel vm2, $0xFFD8F000, v0;
	v2 =	vand.u32 $0xFFFFFC00, v1  }
0x35: {  	v1 =	vand.u32 $0x380, v1;
	v0 =	vadd.s32 v0, v2  }
0x36: {  	v0 =	vor.u32 v1, v0  }
0x37: {  	v0 =	vshrl.u32 v0, $0x3  }
0x38: {  	s14 =	smul.u32 $0x28000, s14;
	_ =	sdelay $0x1  }
0x39: {  	s14 =	sshrl.u32 s14, $0x2  }
0x3a: {  	s14 =	sor.u32 $0x280, s14  }
0x3b: {  	[tilespmem:s14], [sflag:$0x1] =	stream.indirect_vreg.gather [hbm:s4], $0x80, v0, vm0, $0x38;
	[tilespmem:$0x14280] =	vst v63  }
0x3c: {  	s17 =	sadd.s32 $0x10, s16;
	s15 =	sadd.s32 $0x400, s14  }
0x3d: {  	[tilespmem:s15], [sflag:$0x1] =	stream.indirect_vreg.gather [hbm:s4], $0x80, v0, vm1, $0x38;
	[tilespmem:$0x14280] =	vst v63  }
0x3e: {  	s18 =	simm.s32 $0x80;
	v0 =	vld.msk [tilespmem:s17+$0x0 ss:$0x1], $0xffff;
	s17 =	smov.u32 s14  }
.LBB2_3:
0x3f: {  	p1 =	sne.s32 s18, $0x4C0;
	_ =	sdelay $0x4  }
0x40: {  	v1 =	vand.u32 $0xF, v0;
	v2 =	vshll.u32 v0, $0x3  }
0x41: {  	vm2 =	veq.s32 v0, $0x80000000;
	v0 =	vmul.u32 $0x271000, v1;
	v1 =	vand.u32 $0x3FFF80, v2  }
0x42: {  	v1 =	vsel vm2, $0xFFFFFF80, v1  }
0x43: {  	v0 =	vsel vm2, $0xFFD8F000, v0;
	v2 =	vand.u32 $0xFFFFFC00, v1  }
0x44: {  	v1 =	vand.u32 $0x380, v1;
	v0 =	vadd.s32 v0, v2  }
0x45: {  	v0 =	vor.u32 v1, v0  }
0x46: {  	v0 =	vshrl.u32 v0, $0x3;
	_ =	sdelay $0x3  }
.Ltmp3:
0x47: {  	s19 =	sshra.s32 s18, $0x2;
	s17 =	sadd.s32 $0x800, s17;
	(pc) =	sbr.rel @p1 .LBB2_3-.Ltmp3, $4  }
0x48: {  	[tilespmem:s17], [sflag:$0x1] =	stream.indirect_vreg.gather [hbm:s4], $0x80, v0, vm0, $0x38;
	[tilespmem:$0x14280] =	vst v63  }
0x49: {  	s19 =	sadd.s32 s19, s16;
	s20 =	sadd.s32 $0x400, s17  }
0x4a: {  	[tilespmem:s20], [sflag:$0x1] =	stream.indirect_vreg.gather [hbm:s4], $0x80, v0, vm1, $0x38;
	[tilespmem:$0x14280] =	vst v63  }
0x4b: {  	s18 =	sadd.s32 $0x40, s18;
	v0 =	vld.msk [tilespmem:s19+$0x0 ss:$0x1], $0xffff  }
0x4c: {  	_ =	sdelay $0x3  }
0x4d: {  	v1 =	vand.u32 $0xF, v0;
	v2 =	vshll.u32 v0, $0x3  }
0x4e: {  	vm2 =	veq.s32 v0, $0x80000000;
	v61 =	vmul.u32 $0x271000, v1;
	v62 =	vand.u32 $0x3FFF80, v2  }
0x4f: {  	v1 =	vsel vm2, $0xFFFFFF80, v62  }
0x50: {  	v0 =	vsel vm2, $0xFFD8F000, v61;
	v63 =	vand.u32 $0xFFFFFC00, v1  }
0x51: {  	v1 =	vand.u32 $0x380, v1;
	v0 =	vadd.s32 v0, v63  }
0x52: {  	v0 =	vor.u32 v1, v0  }
0x53: {  	v0 =	vshrl.u32 v0, $0x3;
	_ =	sdelay $0x3  }
0x54: {  	s16 =	sadd.s32 $0x800, s17  }
0x55: {  	[tilespmem:s16], [sflag:$0x1] =	stream.indirect_vreg.gather [hbm:s4], $0x80, v0, vm0, $0x38;
	[tilespmem:$0x14280] =	vst v63  }
0x56: {  	s16 =	sadd.s32 $0x400, s16  }
0x57: {  	[tilespmem:s16], [sflag:$0x1] =	stream.indirect_vreg.gather [hbm:s4], $0x80, v0, vm1, $0x38;
	[tilespmem:$0x14280] =	vst v63  }
0x58: {  	s13 =	sshll.u32 s13, $0x4;
	_ =	swait.ge [sflag:s6], $0xA000  }
0x59: {  	s13 =	sadd.s32 s13, s9;
	[sflag:s6] =	ssyncset.done $0x0  }
0x5a: {  	s17 =	sadd.s32 $0x0, s13;
	s16 =	simm.s32 $0x80;
	[sflag:s6] =	ssyncadd.s32 $0xFFFF6000  }
.LBB2_5:
0x5b: {  	[hbm:s17] =	stream.linear.scatter [tilespmem:s14], [sflag:$0x3], $0x400, $0x38;
	[tilespmem:$0x14280] =	vst v63  }
0x5c: {  	s17 =	smov.u32 s16;
	s14 =	smov.u32 s15;
	p1 =	sne.s32 s16, $0x1380  }
.Ltmp4:
0x5d: {  	s16 =	sadd.s32 $0x80, s16;
	(pc) =	sbr.rel @p1 .LBB2_5-.Ltmp4, $2  }
0x5e: {  	_ =	sdelay $0x2  }
0x5f: {  	s15 =	sadd.s32 $0x400, s15;
	s17 =	sadd.s32 s17, s13  }
.Ltmp5:
0x60: {  	_ = 	snop;
	(pc) =	sbr.rel .LBB2_6-.Ltmp5, $1  }
0x61: {  	_ =	sdelay $0x3  }
.LBB2_8:
0x62: {  	_ =	sfence.sel $0x180000  }
0x63: {  	s2 =	simm.s32 $0x2;
	[bflag:$0x0] =	sbarrier.arrive $0xFFFF  }
0x64: {  	s30 =	simm.s32 $0x3;
	[sflag:s2] =	ssyncpa.u1 $0x1  }
0x65: {  	s31 =	simm.s32 $0x1;
	[sflag:s30] =	ssyncpa.u1 $0x1  }
0x66: {  	[sflag:s31] =	ssyncpa.u1 $0x1  }
0x67: {  	p0 =	sne.s32 s0, $0x0;
	_ =	strace $0x9000004D  }
0x68: {  	s0 =	sadd.s32 @!p0 $0x100000, s1;
	[bflag:$0x2] =	sbarrier.arrive $0xFFFF  }
0x69: {  	[sflag:s0] =	ssyncadd.tile.s32 @!p0 $0x1;
	_ =	shalt  }
.Lfunc_end2:
_tile_overlayer_lowered:
.L_overlay_start_2:
0x6a: {  	(tag) =	ssettag $0x2  }
0x6b: {  	s0 =	rddreg [dreg:$0x0];
	s2 =	stileid.u32  }
0x6c: {  	s1 =	rddreg [dreg:$0x1];
	p0 =	sne.s32 s2, $0x0  }
0x6d: {  	s3 =	rddreg [dreg:$0x2];
	[bflag:$0x3] =	sbarrier.arrive $0xFFFF;
	s2 =	simm.s32 @!p0 $0x1C01  }
0x6e: {  	[timem:s3], [sflag:s2] =	dma.local @!p0 [hbm:s0], s1  }
0x6f: {  	s0 =	simm.s32 @!p0 $0x1  }
0x70: {  	_ =	swait.ge @!p0 [sflag:s0], s1  }
0x71: {  	s1 =	ssub.s32 @!p0 $0x0, s1;
	[sflag:s0] =	ssyncset.done @!p0 $0x0  }
0x72: {  	[sflag:s0] =	ssyncadd.s32 @!p0 s1  }
0x73: {  	[bflag:$0x3] =	sbarrier.arrive $0xFFFF  }
0x74: {  	_ =	shalt  }

// kernel: gather_offload_async_start
scs
__scs_entry_jumppad:
0x0: {  	(pc) =	sbr.rel $0x88, $3  }
0x1: {  	(tag) =	ssettag $0x0;
	lr =	simm.s32 $0x1  }
0x2: {  	[smem:$0x3F9D] =	sst lr;
	_ =	strace $0xD0000000  }
0x3: {  	_ = 	snop  }
0x4: {  	_ = 	snop  }
0x5: {  	_ = 	snop  }
0x6: {  	_ = 	snop  }
0x7: {  	_ = 	snop  }
__scs_overlays_trampoline_lowered:
0x8: {  	[smem:$0x3FAC] =	sst s0  }
0x9: {  	[smem:$0x3FAD] =	sst s1  }
0xa: {  	[smem:$0x3FAE] =	sst s2  }
0xb: {  	[smem:$0x3FAF] =	sst s3  }
0xc: {  	[smem:$0x3FB0] =	sst s4  }
0xd: {  	[smem:$0x3FB1] =	sst s5  }
0xe: {  	[smem:$0x3FB2] =	sst s6  }
0xf: {  	[smem:$0x3FB3] =	sst s7  }
0x10: {  	[smem:$0x3FB4] =	sst s8  }
0x11: {  	[smem:$0x3FB5] =	sst s9;
	s0 =	simm.s32 @!p0 $0x0  }
0x12: {  	s1 =	sld [smem:$0x3F9B];
	s0 =	simm.s32 @p0 $0x1  }
0x13: {  	[smem:$0x3FB6] =	sst s0;
	s0 =	simm.s32 @!p1 $0x0  }
0x14: {  	s2 =	sld [smem:$0x3F9A];
	s0 =	simm.s32 @p1 $0x1  }
0x15: {  	[smem:$0x3FB7] =	sst s0;
	s0 =	simm.s32 @!p2 $0x0  }
0x16: {  	s3 =	sld [smem:$0x3FDB];
	s0 =	simm.s32 @p2 $0x1  }
0x17: {  	s4 =	simm.s32 $0x1BF5;
	[smem:$0x3FB9] =	sst s0  }
0x18: {  	s0 =	sld [smem:$0x3F9C];
	_ =	swait.ge [sflag:s4], $0x0  }
0x19: {  	s7 =	sld [smem:$0x3F9D]  }
0x1a: {  	s8 =	sadd.s32 $0xFFFFE003, lr  }
0x1b: {  	s9 =	sadd.s32 $0xFFFFFEF7, lr;
	s5 =	simm.s32 $0xFFFFFFFF;
	p2 =	slt.u32 s8, $0xFFFFF086  }
0x1c: {  	p1 =	slt.u32 s9, $0xF7A;
	s5 =	simm.s32 @!p2 $0x0  }
0x1d: {  	s5 =	simm.s32 @p1 $0x1;
	p0 =	seq.s32 s7, s2  }
0x1e: {  	s7 =	smul.u32 @!p0 $0xF7A, s2;
	p2 =	seq.s32 @!p0 s5, $0x0  }
0x1f: {  	s9 =	smul.u32 $0xF7A, s1;
	s8 =	simm.s32 @!p0 $0x1BF5;
	p2 =	por !p2, p0  }
0x20: {  	[sflag:s8] =	ssyncset.s32 @!p0 $0xFFFFF086;
	s6 =	sadd.s32 @!p0 s3, s7;
	s7 =	simm.s32 @!p0 $0x108  }
0x21: {  	s3 =	sadd.s32 s3, s9;
	s6 =	sadd.s32 @!p0 $0x88, s6;
	s7 =	simm.s32 @p2 $0x1082  }
0x22: {  	[simem:s7], [sflag:s8] =	dma.local @!p0 [hbm:s6], $0xF7A  }
0x23: {  	s9 =	sor.u32 $0xD0000000, s2;
	s6 =	simm.s32 $0x108;
	_ =	swait.ge @!p0 [sflag:s8], $0x0  }
0x24: {  	s3 =	sadd.s32 $0x88, s3;
	s6 =	simm.s32 @!p1 $0x1082;
	[sflag:s4] =	ssyncset.s32 $0xFFFFF086  }
0x25: {  	[simem:s6], [sflag:s4] =	dma.local [hbm:s3], $0xF7A  }
0x26: {  	[smem:$0x3F9D] =	sst s1;
	(tag) =	ssettag s2;
	_ =	strace s9  }
0x27: {  	s1 =	sld [smem:$0x3FAD]  }
0x28: {  	s2 =	sld [smem:$0x3FAE]  }
0x29: {  	s4 =	sld [smem:$0x3FB0]  }
0x2a: {  	p0 =	seq.s32 s5, $0x0;
	s5 =	sld [smem:$0x3FB1]  }
0x2b: {  	s6 =	sld [smem:$0x3FB2]  }
0x2c: {  	s7 =	sld [smem:$0x3FB3]  }
0x2d: {  	s3 =	simm.s32 $0x108;
	s8 =	sld [smem:$0x3FB4]  }
0x2e: {  	s3 =	simm.s32 @!p0 $0x1082;
	s9 =	sld [smem:$0x3FB5]  }
0x2f: {  	lr =	sadd.s32 s0, s3;
	s0 =	sld [smem:$0x3FAC]  }
0x30: {  	s3 =	sld [smem:$0x3FAF]  }
0x31: {  	[smem:$0x3FB8] =	sst s10  }
0x32: {  	s10 =	sld [smem:$0x3FB6];
	_ =	sdelay $0x3  }
0x33: {  	p0 =	seq.s32 s10, $0x1;
	s10 =	sld [smem:$0x3FB8];
	_ =	sdelay $0x3  }
0x34: {  	[smem:$0x3FB8] =	sst s10  }
0x35: {  	s10 =	sld [smem:$0x3FB7];
	_ =	sdelay $0x3  }
0x36: {  	p1 =	seq.s32 s10, $0x1;
	s10 =	sld [smem:$0x3FB8];
	_ =	sdelay $0x3  }
0x37: {  	[smem:$0x3FB8] =	sst s10  }
0x38: {  	s10 =	sld [smem:$0x3FB9]  }
0x39: {  	_ = 	snop;
	(pc) =	sbr.ind lr, $3  }
0x3a: {  	_ = 	snop  }
0x3b: {  	_ = 	snop  }
0x3c: {  	p2 =	seq.s32 s10, $0x1;
	s10 =	sld [smem:$0x3FB8]  }
0x3d: {  	_ =	shalt  }
0x3e: {  	_ =	shalt  }
0x3f: {  	_ =	shalt  }
0x40: {  	_ =	shalt  }
0x41: {  	_ =	shalt  }
0x42: {  	_ =	shalt  }
0x43: {  	_ =	shalt  }
0x44: {  	_ =	shalt  }
0x45: {  	_ =	shalt  }
0x46: {  	_ =	shalt  }
0x47: {  	_ =	shalt  }
0x48: {  	_ =	shalt  }
0x49: {  	_ =	shalt  }
0x4a: {  	_ =	shalt  }
0x4b: {  	_ =	shalt  }
0x4c: {  	_ =	shalt  }
0x4d: {  	_ =	shalt  }
0x4e: {  	_ =	shalt  }
0x4f: {  	_ =	shalt  }
0x50: {  	_ =	shalt  }
0x51: {  	_ =	shalt  }
0x52: {  	_ =	shalt  }
0x53: {  	_ =	shalt  }
0x54: {  	_ =	shalt  }
0x55: {  	_ =	shalt  }
0x56: {  	_ =	shalt  }
0x57: {  	_ =	shalt  }
0x58: {  	_ =	shalt  }
0x59: {  	_ =	shalt  }
0x5a: {  	_ =	shalt  }
0x5b: {  	_ =	shalt  }
0x5c: {  	_ =	shalt  }
0x5d: {  	_ =	shalt  }
0x5e: {  	_ =	shalt  }
0x5f: {  	_ =	shalt  }
0x60: {  	_ =	shalt  }
0x61: {  	_ =	shalt  }
0x62: {  	_ =	shalt  }
0x63: {  	_ =	shalt  }
0x64: {  	_ =	shalt  }
0x65: {  	_ =	shalt  }
0x66: {  	_ =	shalt  }
0x67: {  	_ =	shalt  }
0x68: {  	_ =	shalt  }
0x69: {  	_ =	shalt  }
0x6a: {  	_ =	shalt  }
0x6b: {  	_ =	shalt  }
0x6c: {  	_ =	shalt  }
0x6d: {  	_ =	shalt  }
0x6e: {  	_ =	shalt  }
0x6f: {  	_ =	shalt  }
0x70: {  	_ =	shalt  }
0x71: {  	_ =	shalt  }
0x72: {  	_ =	shalt  }
0x73: {  	_ =	shalt  }
0x74: {  	_ =	shalt  }
0x75: {  	_ =	shalt  }
0x76: {  	_ =	shalt  }
0x77: {  	_ =	shalt  }
0x78: {  	_ =	shalt  }
0x79: {  	_ =	shalt  }
0x7a: {  	_ =	shalt  }
0x7b: {  	_ =	shalt  }
0x7c: {  	_ =	shalt  }
0x7d: {  	_ =	shalt  }
0x7e: {  	_ =	shalt  }
0x7f: {  	_ =	shalt  }
0x80: {  	_ =	shalt  }
0x81: {  	_ =	shalt  }
0x82: {  	_ =	shalt  }
0x83: {  	_ =	shalt  }
0x84: {  	_ =	shalt  }
0x85: {  	_ =	shalt  }
0x86: {  	_ =	shalt  }
0x87: {  	_ =	shalt  }
.Lfunc_end0:
.L_simem_size_0:
called_computation_lowered:
.L_overlay_start_0:
0x88: {  	s2 =	sld [smem:$0x3FD9]  }
0x89: {  	s3 =	sld [smem:$0x3FFE];
	_ =	sdelay $0x1  }
0x8a: {  	s1 =	srdreg.scid  }
0x8b: {  	s0 =	sand.u32 $0x1, s1  }
0x8c: {  	s16 =	sshll.u32 s0, $0xA;
	s2 =	sadd.s32 s3, s2  }
0x8d: {  	s2 =	sadd.s32 s2, s16  }
0x8e: {  	[smem:$0x3FC4] =	sst s2  }
0x8f: {  	_ = 	snop  }
0x90: {  	(tm) =	ssettm $0x1  }
0x91: {  	s17 =	sld [smem:$0x3FFB];
	_ =	sdelay $0x3  }
0x92: {  	_ =	strace s17  }
0x93: {  	s2 =	sld [smem:$0x3FFC];
	_ =	sdelay $0x3  }
0x94: {  	_ =	strace s2  }
0x95: {  	s2 =	sld [smem:$0x3FFD];
	_ =	sdelay $0x3  }
0x96: {  	_ =	strace s2  }
0x97: {  	_ =	strace $0x8FFFFFFF  }
0x98: {  	s18 =	sld [smem:$0x3FDB];
	_ =	sdelay $0x1  }
0x99: {  	s19 =	simm.s32 $_scs_section_size  }
0x9a: {  	s4 =	simm.s32 $_size__tile_overlayer_lowered;
	s5 =	simm.s32 $_tile_overlayer_lowered  }
0x9b: {  	s22 =	simm.s32 $0x1BFF;
	s21 =	sshll.u32 s5, $0x1;
	s2 =	sadd.s32 s19, s18  }
0x9c: {  	s6 =	simm.s32 $0x0;
	s20 =	sshll.u32 s4, $0x1;
	s4 =	sadd.s32 s21, s2  }
0x9d: {  	[timem:s6], [sflag:s22] =	dma.local [hbm:s4], s20  }
0x9e: {  	_ =	swait.ge [sflag:s22], s20  }
0x9f: {  	s3 =	ssub.s32 $0x0, s20;
	[sflag:s22] =	ssyncset.done $0x0  }
0xa0: {  	[sflag:s22] =	ssyncadd.s32 s3;
	_ =	sdelay $0x1  }
0xa1: {  	s23 =	simm.s32 $0x1B8B  }
0xa2: {  	_ =	swait.ge [sflag:s23], $0x1  }
0xa3: {  	[sflag:s23] =	ssyncset.done $0x0  }
0xa4: {  	s25 =	simm.s32 $0x1B8E;
	s24 =	sld [smem:$0x3FFE];
	[sflag:s23] =	ssyncadd.s32 $0xFFFFFFFF  }
0xa5: {  	s26 =	simm.s32 $execute0_lowered;
	[smem:$0x3FD2] =	sst s25  }
0xa6: {  	s4 =	sshll.u32 s26, $0x1;
	_ =	strace $0x80000046;
	[dreg:$0x1] =	wrdreg $0xFFFFFFFF  }
0xa7: {  	s28 =	simm.s32 $_size_execute0_lowered;
	s2 =	sadd.s32 s2, s4;
	[dreg:$0x0] =	wrdreg $0x0  }
0xa8: {  	s4 =	sshll.u32 s28, $0x1;
	[dreg:$0x2] =	wrdreg s2  }
0xa9: {  	[dreg:$0x3] =	wrdreg s4  }
0xaa: {  	[dreg:$0x4] =	wrdreg $0xC0  }
0xab: {  	_ =	task [dreg:s6], $0x5FFFF  }
0xac: {  	[dreg:$0x1] =	wrdreg $0xFFFFFFFF  }
0xad: {  	[dreg:$0x0] =	wrdreg $0x60  }
0xae: {  	[dreg:$0x2] =	wrdreg s24  }
0xaf: {  	[dreg:$0x3] =	wrdreg $0x9  }
0xb0: {  	_ =	task.clear_ibuf [dreg:s6], $0x4FFFF;
	_ =	strace $0x90000046  }
0xb1: {  	s29 =	simm.s32 $0x9;
	_ =	strace $0x80000048  }
0xb2: {  	_ =	swait.ge [sflag:s29], $0x1  }
0xb3: {  	[sflag:s29] =	ssyncadd.s32 $0xFFFFFFFF  }
0xb4: {  	_ =	strace $0x90000048  }
0xb5: {  	_ =	sfence  }
0xb6: {  	s30 =	sld [smem:$0x0];
	_ =	sdelay $0x2  }
0xb7: {  	s31 =	sshll.u32 s1, $0xD;
	s1 =	sshrl.u32 s1, $0x2  }
0xb8: {  	s3 =	sand.u32 $0x4000, s31;
	s1 =	sadd.s32 s1, s30  }
0xb9: {  	s0 =	sor.u32 s3, s0;
	s1 =	sshll.u32 s1, $0x11  }
0xba: {  	s0 =	sor.u32 s1, s0  }
0xbb: {  	s0 =	sadd.s32 $0x8F2B, s0  }
0xbc: {  	[sflag:s0] =	ssyncadd.remote.s32 $0x1  }
0xbd: {  	_ =	sfence.sel $0xFFFF  }
0xbe: {  	[dreg:$0x0] =	wrdreg $0xFFFFFFFF;
	(pc) =	sbr.abs _section_cstart, $3  }
0xbf: {  	[dreg:$0x1] =	wrdreg $0xFFFFFFFF  }
0xc0: {  	_ =	task.clear_ibuf [dreg:s6], $0x2FFFF;
	_ =	strace $0x9FFFFFFF  }
0xc1: {  	(tm) =	ssettm $0x7FFFFFFF  }
tec
execute0_lowered:
.L_overlay_start_1:
0x0: {  	(tag) =	ssettag $0x1  }
0x1: {  	s0 =	srdreg.scid;
	s5 =	rddreg [dreg:$0x0]  }
0x2: {  	s1 =	stileid.u32;
	s6 =	simm.s32 $0x1;
	s9 =	simm.s32 $0x1  }
0x3: {  	s10 =	simm.s32 $0x3;
	s13 =	simm.s32 $0x0;
	s2 =	sshll.u32 s0, $0x7  }
0x4: {  	s12 =	simm.s32 $0x0;
	s3 =	sshll.u32 s1, $0x8;
	s4 =	sand.u32 $0x80, s2  }
0x5: {  	s0 =	rddreg [dreg:$0x1];
	_ =	strace $0x80000047;
	s3 =	sor.u32 s3, s4  }
0x6: {  	s2 =	sadd.s32 $0x4E2C00, s5;
	[sflag:s6] =	ssyncpa.u1 $0x0;
	s8 =	ssub.s32 $0x3E80, s3  }
.Ltmp0:
0x7: {  	s4 =	sadd.s32 $0x4E2400, s5;
	s7 =	sand.u32 $0xF80, s8;
	(pc) =	sbr.rel .LBB2_1-.Ltmp0, $4  }
0x8: {  	s5 =	sadd.s32 $0x50A000, s5;
	s11 =	smov.u32 s3;
	p0 =	sne.s32 s7, $0x0  }
0x9: {  	s8 =	sshrl.u32 s8, $0xC;
	s7 =	simm.s32 $0x2;
	s9 =	simm.s32 @!p0 $0x0  }
0xa: {  	[sflag:s7] =	ssyncpa.u1 $0x0;
	p0 =	por $0x0, $0x0;
	s8 =	sadd.s32 s9, s8  }
0xb: {  	vm0 =	vmmov $0xffff;
	v0 =	vlaneseq.u32;
	[sflag:s10] =	ssyncpa.u1 $0x0;
	s10 =	simm.s32 $0x0;
	s9 =	sadd.s32 $0x1, s8  }
.LBB2_4:
0xc: {  	_ =	sdelay $0x3  }
0xd: {  	[tilespmem:s21], [sflag:$0x1] =	stream.indirect_vreg.gather [hbm4b:s2+s10], $0x1, v1, vm0, $0x4038;
	[tilespmem:$0x500] =	vst v63  }
0xe: {  	s15 =	sadd.s32 s17, s15  }
0xf: {  	v1 =	vld.msk [tilespmem:s15+$0x0 ss:$0x1], $0xffff;
	_ =	sdelay $0x4  }
0x10: {  	v2 =	vshrl.u32 v1, $0x4  }
0x11: {  	v3 =	vand.u32 $0xF, v1;
	vm1 =	veq.s32 v1, $0x80000000;
	v1 =	vand.u32 $0x7FFF, v2  }
0x12: {  	p1 =	sgt.s32 s18, $0x0;
	v2 =	vmul.u32 $0x13A00, v3;
	v1 =	vsel vm1, $0xFFFFFFFF, v1  }
0x13: {  	s18 =	simm.s32 @!p1 $0x0;
	v3 =	vshll.u32 v1, $0x2  }
0x14: {  	s26 =	smin.u32 s18, $0x10;
	v2 =	vsel vm1, $0xFFFEC600, v2;
	v3 =	vand.u32 $0xFFFFFE00, v3  }
0x15: {  	v1 =	vand.u32 $0x7F, v1;
	v2 =	vadd.s32 v2, v3;
	v3 =	vmov s26  }
0x16: {  	v1 =	vor.u32 v1, v2;
	vm1 =	vgt.u32 v3, v0  }
0x17: {  	v2 =	vnsel vm1, $0x7FFFFFFF, v1;
	_ =	sdelay $0x1  }
0x18: {  	v3 =	vor.u32 $0x80, v1  }
0x19: {  	(ifvalue) =	ssetifvalue $0x7FFFFFFF;
	v3 =	vnsel vm1, $0x7FFFFFFF, v3  }
0x1a: {  	s28 =	sadd.s32 s17, s16;
	(ifvalue) =	ssetifvalue $0x7FFFFFFF  }
0x1b: {  	v4 =	vor.u32 $0x100, v1;
	[tilespmem:s28], [sflag:$0x1] =	stream.indirect_vreg.gather [hbm4b:s2+s10], $0x1, v2, vm0, $0x4038;
	[tilespmem:$0x500] =	vst v63  }
0x1c: {  	(ifvalue) =	ssetifvalue $0x7FFFFFFF;
	v2 =	vnsel vm1, $0x7FFFFFFF, v4  }
0x1d: {  	s16 =	sadd.s32 $0x80, s28;
	(ifvalue) =	ssetifvalue $0x7FFFFFFF  }
0x1e: {  	v1 =	vor.u32 $0x180, v1;
	[tilespmem:s16], [sflag:$0x1] =	stream.indirect_vreg.gather [hbm4b:s2+s10], $0x1, v3, vm0, $0x4038;
	[tilespmem:$0x500] =	vst v63  }
0x1f: {  	v1 =	vnsel vm1, $0x7FFFFFFF, v1;
	(ifvalue) =	ssetifvalue $0x7FFFFFFF  }
0x20: {  	s29 =	sadd.s32 $0x100, s28;
	(ifvalue) =	ssetifvalue $0x7FFFFFFF  }
0x21: {  	[tilespmem:s29], [sflag:$0x1] =	stream.indirect_vreg.gather [hbm4b:s2+s10], $0x1, v2, vm0, $0x4038;
	[tilespmem:$0x500] =	vst v63  }
0x22: {  	(ifvalue) =	ssetifvalue $0x7FFFFFFF  }
0x23: {  	s30 =	sshll.u32 s13, $0x2;
	s15 =	sadd.s32 $0x180, s28;
	(ifvalue) =	ssetifvalue $0x7FFFFFFF  }
0x24: {  	[tilespmem:s15], [sflag:$0x1] =	stream.indirect_vreg.gather [hbm4b:s2+s10], $0x1, v1, vm0, $0x4038;
	[tilespmem:$0x500] =	vst v63  }
0x25: {  	s31 =	sand.u32 $0x78, s13;
	s15 =	sand.u32 $0xFFFFFE00, s30  }
0x26: {  	_ =	swait.ge [sflag:s6], $0x200;
	s13 =	sor.u32 s31, s15  }
0x27: {  	[sflag:s6] =	ssyncset.done $0x0;
	s13 =	sshrl.u32 s13, $0x3  }
0x28: {  	[sflag:s6] =	ssyncadd.s32 $0xFFFFFE00;
	s13 =	sadd.s32 s5, s13  }
0x29: {  	[hbm:s13] =	stream.linear.scatter [tilespmem:s14], [sflag:$0x3], $0x200, $0x38;
	[tilespmem:$0x500] =	vst v63  }
.LBB2_5:
0x2a: {  	s15 =	sadd.s32 $0x1000, s11  }
0x2b: {  	p2 =	sgt.s32 s15, $0x3E7F  }
0x2c: {  	s15 =	smov.u32 @p2 s3;
	p2 =	sne.s32 s12, s9  }
.Ltmp1:
0x2d: {  	p1 =	slt.u32 s12, $0x2;
	(pc) =	sbr.rel @!p2 .LBB2_6-.Ltmp1, $4  }
0x2e: {  	s14 =	simm.s32 @!p1 $0x3  }
0x2f: {  	s16 =	sadd.s32 $0x1, s12;
	_ =	swait.ge @!p1 [sflag:s14], $0x200  }
0x30: {  	s13 =	smov.u32 s11;
	p0 =	por !p0, !p0;
	[sflag:s14] =	ssyncset.done @!p1 $0x0  }
0x31: {  	s12 =	smov.u32 s16;
	s11 =	smov.u32 s15;
	[sflag:s14] =	ssyncadd.s32 @!p1 $0xFFFFFE00  }
.LBB2_1:
0x32: {  	p1 =	sge.u32 s12, s8  }
0x33: {  	s14 =	sxor.u32 @!p1 $0xFFFFFFFF, s12  }
0x34: {  	s31 =	sadd.s32 $0xFFFFFFFF, s12;
	s15 =	sshrl.u32 @!p1 s11, $0x3;
	s14 =	sshll.u32 @!p1 s14, $0x7  }
0x35: {  	s16 =	sand.u32 @!p1 $0x7, s11;
	s15 =	sadd.s32 @!p1 s4, s15;
	s14 =	sand.u32 @!p1 $0x80, s14  }
0x36: {  	[tilespmem:s14], [sflag:$0x2] =	stream.linear.gather @!p1 [hbm4b:s15+s16], $0x80, $0x38;
	[tilespmem:$0x500] =	vst v63  }
0x37: {  	p1 =	sge.u32 s31, s8  }
.Ltmp2:
0x38: {  	_ = 	snop;
	(pc) =	sbr.rel @p1 .LBB2_5-.Ltmp2, $1  }
0x39: {  	_ =	sdelay $0x3  }
0x3a: {  	s14 =	simm.s32 $0x1  }
0x3b: {  	_ =	swait.ge [sflag:s7], $0x80;
	s14 =	simm.s32 @!p0 $0x0  }
0x3c: {  	[sflag:s7] =	ssyncset.done $0x0;
	s15 =	sshll.u32 s14, $0x7  }
0x3d: {  	[sflag:s7] =	ssyncadd.s32 $0xFFFFFF80;
	s16 =	sadd.s32 $0x0, s15  }
0x3e: {  	v1 =	vld.msk [tilespmem:s16+$0x0 ss:$0x1], $0xffff;
	_ =	sdelay $0x3  }
0x3f: {  	s18 =	ssub.s32 $0x3E80, s13  }
0x40: {  	p1 =	slt.s32 s18, $0x80;
	v2 =	vshrl.u32 v1, $0x4  }
0x41: {  	s18 =	simm.s32 @!p1 $0x80;
	v3 =	vand.u32 $0xF, v1;
	vm1 =	veq.s32 v1, $0x80000000;
	v1 =	vand.u32 $0x7FFF, v2  }
0x42: {  	p1 =	sgt.s32 s18, $0x0;
	s16 =	smov.u32 s18;
	v2 =	vmul.u32 $0x13A00, v3;
	v1 =	vsel vm1, $0xFFFFFFFF, v1  }
0x43: {  	s16 =	simm.s32 @!p1 $0x0;
	v3 =	vshll.u32 v1, $0x2  }
0x44: {  	s16 =	smin.u32 s16, $0x10;
	v2 =	vsel vm1, $0xFFFEC600, v2;
	v3 =	vand.u32 $0xFFFFFE00, v3  }
0x45: {  	v1 =	vand.u32 $0x7F, v1;
	v2 =	vadd.s32 v2, v3;
	v3 =	vmov s16  }
0x46: {  	v1 =	vor.u32 v1, v2;
	vm1 =	vgt.u32 v3, v0  }
0x47: {  	v2 =	vnsel vm1, $0x7FFFFFFF, v1;
	_ =	sdelay $0x1  }
0x48: {  	s14 =	sshll.u32 s14, $0x9;
	v3 =	vor.u32 $0x80, v1  }
0x49: {  	(ifvalue) =	ssetifvalue $0x7FFFFFFF;
	s16 =	sor.u32 $0x100, s14;
	v3 =	vnsel vm1, $0x7FFFFFFF, v3  }
0x4a: {  	(ifvalue) =	ssetifvalue $0x7FFFFFFF;
	s19 =	sadd.s32 $0x0, s16  }
0x4b: {  	v4 =	vor.u32 $0x100, v1;
	[tilespmem:s19], [sflag:$0x1] =	stream.indirect_vreg.gather [hbm4b:s2+s10], $0x1, v2, vm0, $0x4038;
	[tilespmem:$0x500] =	vst v63  }
0x4c: {  	(ifvalue) =	ssetifvalue $0x7FFFFFFF;
	v2 =	vnsel vm1, $0x7FFFFFFF, v4  }
0x4d: {  	s17 =	sadd.s32 $0x80, s19;
	(ifvalue) =	ssetifvalue $0x7FFFFFFF  }
0x4e: {  	v1 =	vor.u32 $0x180, v1;
	[tilespmem:s17], [sflag:$0x1] =	stream.indirect_vreg.gather [hbm4b:s2+s10], $0x1, v3, vm0, $0x4038;
	[tilespmem:$0x500] =	vst v63  }
0x4f: {  	s30 =	sshll.u32 s12, $0x9;
	s20 =	simm.s32 $0x80;
	v1 =	vnsel vm1, $0x7FFFFFFF, v1;
	(ifvalue) =	ssetifvalue $0x7FFFFFFF  }
0x50: {  	s14 =	sand.u32 $0x200, s30;
	s31 =	sadd.s32 $0x100, s19;
	(ifvalue) =	ssetifvalue $0x7FFFFFFF  }
0x51: {  	[tilespmem:s31], [sflag:$0x1] =	stream.indirect_vreg.gather [hbm4b:s2+s10], $0x1, v2, vm0, $0x4038;
	[tilespmem:$0x500] =	vst v63  }
0x52: {  	s18 =	sadd.s32 $0xFFFFFFF0, s18;
	s14 =	sor.u32 $0x100, s14;
	(ifvalue) =	ssetifvalue $0x7FFFFFFF  }
0x53: {  	s21 =	sadd.s32 $0x180, s19;
	s17 =	simm.s32 $0x10;
	(ifvalue) =	ssetifvalue $0x7FFFFFFF  }
.LBB2_3:
0x54: {  	[tilespmem:s21], [sflag:$0x1] =	stream.indirect_vreg.gather [hbm4b:s2+s10], $0x1, v1, vm0, $0x4038;
	[tilespmem:$0x500] =	vst v63  }
0x55: {  	s19 =	smov.u32 s20  }
0x56: {  	s22 =	sadd.s32 s17, s15;
	s21 =	sshra.s32 s19, $0x2;
	s19 =	sadd.s32 $0x40, s20  }
0x57: {  	p1 =	sne.s32 s20, $0x1C0;
	v1 =	vld.msk [tilespmem:s22+$0x0 ss:$0x1], $0xffff  }
0x58: {  	(ifvalue) =	ssetifvalue $0x7FFFFFFF;
	_ =	sdelay $0x4  }
0x59: {  	v2 =	vand.u32 $0xF, v1;
	v3 =	vshrl.u32 v1, $0x4  }
0x5a: {  	vm1 =	veq.s32 v1, $0x80000000;
	v1 =	vand.u32 $0x7FFF, v3;
	v2 =	vmul.u32 $0x13A00, v2  }
0x5b: {  	p2 =	sgt.s32 s18, $0x0;
	s20 =	smov.u32 s18;
	v1 =	vsel vm1, $0xFFFFFFFF, v1  }
0x5c: {  	s20 =	simm.s32 @!p2 $0x0;
	v2 =	vsel vm1, $0xFFFEC600, v2;
	v3 =	vshll.u32 v1, $0x2  }
0x5d: {  	s20 =	smin.u32 s20, $0x10;
	v3 =	vand.u32 $0xFFFFFE00, v3  }
0x5e: {  	v1 =	vand.u32 $0x7F, v1;
	v2 =	vadd.s32 v2, v3;
	v3 =	vmov s20  }
0x5f: {  	v1 =	vor.u32 v1, v2;
	vm1 =	vgt.u32 v3, v0  }
0x60: {  	v2 =	vnsel vm1, $0x7FFFFFFF, v1;
	v3 =	vor.u32 $0x80, v1;
	v4 =	vor.u32 $0x100, v1  }
0x61: {  	v1 =	vor.u32 $0x180, v1;
	_ =	sdelay $0x1  }
0x62: {  	v3 =	vnsel vm1, $0x7FFFFFFF, v3  }
0x63: {  	s20 =	sadd.s32 s17, s16;
	s17 =	smov.u32 s21;
	(ifvalue) =	ssetifvalue $0x7FFFFFFF  }
0x64: {  	[tilespmem:s20], [sflag:$0x1] =	stream.indirect_vreg.gather [hbm4b:s2+s10], $0x1, v2, vm0, $0x4038;
	[tilespmem:$0x500] =	vst v63  }
0x65: {  	v2 =	vnsel vm1, $0x7FFFFFFF, v4;
	(ifvalue) =	ssetifvalue $0x7FFFFFFF  }
0x66: {  	s21 =	sadd.s32 $0x80, s20;
	(ifvalue) =	ssetifvalue $0x7FFFFFFF  }
0x67: {  	[tilespmem:s21], [sflag:$0x1] =	stream.indirect_vreg.gather [hbm4b:s2+s10], $0x1, v3, vm0, $0x4038;
	[tilespmem:$0x500] =	vst v63  }
.Ltmp3:
0x68: {  	v1 =	vnsel vm1, $0x7FFFFFFF, v1;
	(ifvalue) =	ssetifvalue $0x7FFFFFFF;
	(pc) =	sbr.rel @p1 .LBB2_3-.Ltmp3, $4  }
0x69: {  	s21 =	sadd.s32 $0x100, s20;
	(ifvalue) =	ssetifvalue $0x7FFFFFFF  }
0x6a: {  	[tilespmem:s21], [sflag:$0x1] =	stream.indirect_vreg.gather [hbm4b:s2+s10], $0x1, v2, vm0, $0x4038;
	[tilespmem:$0x500] =	vst v63  }
0x6b: {  	s18 =	sadd.s32 $0xFFFFFFF0, s18;
	(ifvalue) =	ssetifvalue $0x7FFFFFFF  }
0x6c: {  	s21 =	sadd.s32 $0x180, s20;
	s20 =	smov.u32 s19;
	(ifvalue) =	ssetifvalue $0x7FFFFFFF  }
.Ltmp4:
0x6d: {  	_ = 	snop;
	(pc) =	sbr.rel .LBB2_4-.Ltmp4, $1  }
0x6e: {  	_ =	sdelay $0x3  }
.LBB2_6:
0x6f: {  	_ =	sfence.sel $0x180000  }
0x70: {  	s2 =	simm.s32 $0x2;
	[bflag:$0x0] =	sbarrier.arrive $0xFFFF  }
0x71: {  	s30 =	simm.s32 $0x3;
	[sflag:s2] =	ssyncpa.u1 $0x1  }
0x72: {  	s31 =	simm.s32 $0x1;
	[sflag:s30] =	ssyncpa.u1 $0x1  }
0x73: {  	[sflag:s31] =	ssyncpa.u1 $0x1  }
0x74: {  	p0 =	sne.s32 s1, $0x0;
	_ =	strace $0x90000047  }
0x75: {  	s0 =	sadd.s32 @!p0 $0x100000, s0;
	[bflag:$0x2] =	sbarrier.arrive $0xFFFF  }
0x76: {  	[sflag:s0] =	ssyncadd.tile.s32 @!p0 $0x1;
	_ =	shalt  }
.Lfunc_end2:
_tile_overlayer_lowered:
.L_overlay_start_2:
0x77: {  	(tag) =	ssettag $0x2  }
0x78: {  	s0 =	rddreg [dreg:$0x0];
	s2 =	stileid.u32  }
0x79: {  	s1 =	rddreg [dreg:$0x1];
	p0 =	sne.s32 s2, $0x0  }
0x7a: {  	s3 =	rddreg [dreg:$0x2];
	[bflag:$0x3] =	sbarrier.arrive $0xFFFF;
	s2 =	simm.s32 @!p0 $0x1C01  }
0x7b: {  	[timem:s3], [sflag:s2] =	dma.local @!p0 [hbm:s0], s1  }
0x7c: {  	s0 =	simm.s32 @!p0 $0x1  }
0x7d: {  	_ =	swait.ge @!p0 [sflag:s0], s1  }
0x7e: {  	s1 =	ssub.s32 @!p0 $0x0, s1;
	[sflag:s0] =	ssyncset.done @!p0 $0x0  }
0x7f: {  	[sflag:s0] =	ssyncadd.s32 @!p0 s1  }
0x80: {  	[bflag:$0x3] =	sbarrier.arrive $0xFFFF  }
0x81: {  	_ =	shalt  }

</sc_bundles>
